<compile_context>
chip_gen: v7x
topology: tpu7x:2x2x1
jax: 0.10.2.dev20260603
libtpu: 0.0.44.dev20260713+nightly
codegen_flags: <defaults>
</compile_context>

<pallas_src>
import functools

import jax
import jax.numpy as jnp
from jax import lax
from jax.experimental import pallas as pl
from jax.experimental.pallas import tpu as pltpu
from jax.experimental.pallas import tpu_sc as plsc

EMBED = 64
NC = 2
NS = 16
NW = NC * NS
NB = 8
NBUF = 2


@functools.partial(jax.jit, static_argnames=("batch", "hist"))
def _sc_gather(table, locations, batch, hist):
    b_per_w = batch // NW
    n_steps = b_per_w // NB
    n_outer = n_steps // NBUF
    mesh = plsc.VectorSubcoreMesh(core_axis_name="c", subcore_axis_name="s")

    @functools.partial(
        pl.kernel,
        mesh=mesh,
        out_type=jax.ShapeDtypeStruct((batch, hist, EMBED), jnp.float32),
        scratch_types=[
            pltpu.VMEM((b_per_w, hist), jnp.int32),
            *[pltpu.VMEM((NB, hist, EMBED), jnp.float32) for _ in range(NBUF)],
            pltpu.SemaphoreType.DMA,
            pltpu.SemaphoreType.DMA,
        ],
        compiler_params=pltpu.CompilerParams(use_tc_tiling_on_sc=False),
    )
    def k(table_hbm, idx_hbm, out_hbm, idx_v, *bufs_and_sems):
        bufs = bufs_and_sems[:NBUF]
        sem_g, sem_w = bufs_and_sems[NBUF:]
        wid = lax.axis_index("s") * NC + lax.axis_index("c")
        base = wid * b_per_w
        pltpu.sync_copy(idx_hbm.at[pl.ds(base, b_per_w)], idx_v)

        def wait_one_write():
            pltpu.make_async_copy(
                bufs[0], out_hbm.at[pl.ds(base, NB)], sem_w
            ).wait()

        def outer(g, _):
            descs = []
            for b in range(NBUF):
                t = g * NBUF + b

                @pl.when(g >= 1)
                def _():
                    wait_one_write()

                for j in range(NB):
                    desc = pltpu.make_async_copy(
                        table_hbm.at[idx_v.at[t * NB + j]],
                        bufs[b].at[j],
                        sem_g,
                    )
                    desc.start()
                    descs.append(desc)
            for b in range(NBUF):
                t = g * NBUF + b
                for j in range(NB):
                    descs[b * NB + j].wait()
                pltpu.make_async_copy(
                    bufs[b], out_hbm.at[pl.ds(base + t * NB, NB)], sem_w
                ).start()
            return 0

        lax.fori_loop(0, n_outer, outer, 0)
        for _ in range(NBUF):
            wait_one_write()

    return k(table, locations)


def kernel(locations, table):
    batch, hist = locations.shape
    return _sc_gather(table, locations, batch, hist)

# --- scband reference (transcript-rebuilt; emitter-appended) ---
"""Pipeline reference for scband-sembed-50328426774979 (READ-ONLY COPY).

The authoritative reference and input builder live on the scoring server;
editing this copy changes nothing except your own understanding.
"""

import jax, jax.numpy as jnp
import numpy as np

PAD = 0  # assumed constants.PAD == 0

VOCAB = 100000
EMBED = 64
BATCH = 4096
HIST = 50

def setup_inputs(seed: int = 0) -> dict:
    key = jax.random.key(seed)
    k1, k2 = jax.random.split(key)
    locations = jax.random.randint(k1, (BATCH, HIST), 0, VOCAB)
    table = jax.random.normal(k2, (VOCAB, EMBED), dtype=jnp.float32)
    # nn.Embedding with padding_idx zeroes the padding row at init
    table = table.at[PAD].set(0.0)
    return {"locations": locations, "table": table}

def reference(locations, table):
    # nn.Embedding forward: gather rows of the table
    return jnp.take(table, locations, axis=0)

if __name__ == "__main__":
    import jax
    _d = setup_inputs()
    print(jax.jit(kernel)(*tuple(_d.values())))

</pallas_src>

<mosaic_0001>
#map = affine_map<(d0, d1) -> (0, 0)>
#map1 = affine_map<(d0, d1) -> (0, 0, 0)>
module attributes {stable_mosaic.version = 14 : i64} {
  func.func @k(%arg0: i32, %arg1: i32, %arg2: memref<100000x64xf32, #tpu.memory_space<hbm>>, %arg3: memref<4096x50xi32, #tpu.memory_space<hbm>>, %arg4: memref<4096x50x64xf32, #tpu.memory_space<hbm>>, %arg5: memref<128x50xi32, #tpu.memory_space<vmem>>, %arg6: memref<8x50x64xf32, #tpu.memory_space<vmem>>, %arg7: memref<8x50x64xf32, #tpu.memory_space<vmem>>, %arg8: memref<!tpu.dma_semaphore, #tpu.memory_space<semaphore_mem>>, %arg9: memref<!tpu.dma_semaphore, #tpu.memory_space<semaphore_mem>>) attributes {dimension_semantics = [#tpu.dimension_semantics<core_parallel>, #tpu.dimension_semantics<subcore_parallel>], iteration_bounds = array<i64: 2, 16>, scalar_prefetch = 0 : i64, scratch_operands = 5 : i64, tpu.core_type = #tpu.core_type<sc_vector_subcore>, window_params = [{transform_indices = #map}, {transform_indices = #map}, {transform_indices = #map1}]} {
    %mul3A = arith.constant 2 : i32
    %mul3A_0 = arith.muli %arg1, %mul3A : i32
    %add3A = arith.addi %mul3A_0, %arg0 : i32
    %mul3A_1 = arith.constant 128 : i32
    %mul3A_2 = arith.muli %add3A, %mul3A_1 : i32
    "tpu.region"() ({
      %run_scoped3A = tpu.sem_alloc : memref<!tpu.dma_semaphore, #tpu.memory_space<semaphore_mem>>
      %dma_start3A = arith.constant 0 : i32
      %dma_start3A_20 = tpu.memref_slice %arg3[%mul3A_2, %dma_start3A] : memref<4096x50xi32, #tpu.memory_space<hbm>> -> memref<128x50xi32, #tpu.memory_space<hbm>>
      %dma_start3A_21 = arith.constant 0 : i32
      %dma_start3A_22 = tpu.memref_slice %arg3[%mul3A_2, %dma_start3A_21] : memref<4096x50xi32, #tpu.memory_space<hbm>> -> memref<128x50xi32, #tpu.memory_space<hbm>>
      tpu.enqueue_dma source(%dma_start3A_22 : memref<128x50xi32, #tpu.memory_space<hbm>>) target(%arg5 : memref<128x50xi32, #tpu.memory_space<vmem>>) target_semaphore(%run_scoped3A : memref<!tpu.dma_semaphore, #tpu.memory_space<semaphore_mem>>)
      %dma_wait3A_23 = arith.constant 0 : i32
      %dma_wait3A_24 = tpu.memref_slice %arg3[%mul3A_2, %dma_wait3A_23] : memref<4096x50xi32, #tpu.memory_space<hbm>> -> memref<128x50xi32, #tpu.memory_space<hbm>>
      %dma_wait3A_25 = arith.constant 0 : i32
      %dma_wait3A_26 = tpu.memref_slice %arg3[%mul3A_2, %dma_wait3A_25] : memref<4096x50xi32, #tpu.memory_space<hbm>> -> memref<128x50xi32, #tpu.memory_space<hbm>>
      tpu.wait_dma2 semaphore(%run_scoped3A : memref<!tpu.dma_semaphore, #tpu.memory_space<semaphore_mem>>) src(%dma_wait3A_26 : memref<128x50xi32, #tpu.memory_space<hbm>>) dst(%arg5 : memref<128x50xi32, #tpu.memory_space<vmem>>)
      tpu.yield
    }) : () -> ()
    %scan3A = arith.constant 0 : i32
    %scan3A_3 = arith.constant 0 : i32
    %scan3A_4 = arith.constant 8 : i32
    %scan3A_5 = arith.addi %scan3A_3, %scan3A_4 : i32
    %scan3A_6 = arith.constant 1 : i32
    %scan3A_7 = scf.for %scan3A_20 = %scan3A_3 to %scan3A_5 step %scan3A_6 iter_args(%scan3A_21 = %scan3A) -> (i32)  : i32 {
      %mul3A_22 = arith.constant 2 : i32
      %mul3A_23 = arith.muli %scan3A_20, %mul3A_22 : i32
      %add3A_24 = arith.constant 0 : i32
      %add3A_25 = arith.addi %mul3A_23, %add3A_24 : i32
      %ge3A = arith.constant 1 : i32
      %ge3A_26 = arith.cmpi sge, %scan3A_20, %ge3A : i32
      %convert_element_type3A = arith.extui %ge3A_26 : i1 to i32
      %cond3A = arith.constant 0 : i32
      %cond3A_27 = arith.cmpi ne, %convert_element_type3A, %cond3A : i32
      scf.if %cond3A_27 {
        %dma_wait3A_479 = arith.constant 0 : i32
        %dma_wait3A_480 = arith.constant 0 : i32
        %dma_wait3A_481 = tpu.memref_slice %arg4[%mul3A_2, %dma_wait3A_479, %dma_wait3A_480] : memref<4096x50x64xf32, #tpu.memory_space<hbm>> -> memref<8x50x64xf32, #tpu.memory_space<hbm>>
        %dma_wait3A_482 = arith.constant 0 : i32
        %dma_wait3A_483 = arith.constant 0 : i32
        %dma_wait3A_484 = tpu.memref_slice %arg4[%mul3A_2, %dma_wait3A_482, %dma_wait3A_483] : memref<4096x50x64xf32, #tpu.memory_space<hbm>> -> memref<8x50x64xf32, #tpu.memory_space<hbm>>
        tpu.wait_dma2 semaphore(%arg9 : memref<!tpu.dma_semaphore, #tpu.memory_space<semaphore_mem>>) src(%arg6 : memref<8x50x64xf32, #tpu.memory_space<vmem>>) dst(%dma_wait3A_484 : memref<8x50x64xf32, #tpu.memory_space<hbm>>)
      } else {
      }
      %mul3A_28 = arith.constant 8 : i32
      %mul3A_29 = arith.muli %add3A_25, %mul3A_28 : i32
      %add3A_30 = arith.constant 0 : i32
      %add3A_31 = arith.addi %mul3A_29, %add3A_30 : i32
      %dma_start3A = arith.constant 0 : i32
      %dma_start3A_32 = arith.constant 0 : i32
      %dma_start3A_33 = arith.constant 0 : i32
      %dma_start3A_34 = tpu.memref_slice %arg6[%dma_start3A, %dma_start3A_32, %dma_start3A_33] : memref<8x50x64xf32, #tpu.memory_space<vmem>> -> memref<1x50x64xf32, #tpu.memory_space<vmem>>
      %dma_start3A_35 = tpu.memref_squeeze %dma_start3A_34 : memref<1x50x64xf32, #tpu.memory_space<vmem>> -> memref<50x64xf32, #tpu.memory_space<vmem>>
      %dma_start3A_36 = arith.constant 0 : i32
      %dma_start3A_37 = tpu.memref_slice %arg5[%add3A_31, %dma_start3A_36] : memref<128x50xi32, #tpu.memory_space<vmem>> -> memref<1x50xi32, #tpu.memory_space<vmem>>
      %dma_start3A_38 = tpu.memref_squeeze %dma_start3A_37 : memref<1x50xi32, #tpu.memory_space<vmem>> -> memref<50xi32, #tpu.memory_space<vmem>>
      %dma_start3A_39 = arith.constant 0 : i32
      %dma_start3A_40 = arith.constant 0 : i32
      %dma_start3A_41 = tpu.memref_slice %arg2[%dma_start3A_39, %dma_start3A_40] : memref<100000x64xf32, #tpu.memory_space<hbm>> -> memref<100000x64xf32, #tpu.memory_space<hbm>>
      tpu.enqueue_indirect_dma source(%dma_start3A_41 : memref<100000x64xf32, #tpu.memory_space<hbm>>) target(%dma_start3A_35 : memref<50x64xf32, #tpu.memory_space<vmem>>) offsets(%dma_start3A_38 : memref<50xi32, #tpu.memory_space<vmem>>) semaphore(%arg8 : memref<!tpu.dma_semaphore, #tpu.memory_space<semaphore_mem>>)
      %mul3A_42 = arith.constant 8 : i32
      %mul3A_43 = arith.muli %add3A_25, %mul3A_42 : i32
      %add3A_44 = arith.constant 1 : i32
      %add3A_45 = arith.addi %mul3A_43, %add3A_44 : i32
      %dma_start3A_46 = arith.constant 1 : i32
      %dma_start3A_47 = arith.constant 0 : i32
      %dma_start3A_48 = arith.constant 0 : i32
      %dma_start3A_49 = tpu.memref_slice %arg6[%dma_start3A_46, %dma_start3A_47, %dma_start3A_48] : memref<8x50x64xf32, #tpu.memory_space<vmem>> -> memref<1x50x64xf32, #tpu.memory_space<vmem>>
      %dma_start3A_50 = tpu.memref_squeeze %dma_start3A_49 : memref<1x50x64xf32, #tpu.memory_space<vmem>> -> memref<50x64xf32, #tpu.memory_space<vmem>>
      %dma_start3A_51 = arith.constant 0 : i32
      %dma_start3A_52 = tpu.memref_slice %arg5[%add3A_45, %dma_start3A_51] : memref<128x50xi32, #tpu.memory_space<vmem>> -> memref<1x50xi32, #tpu.memory_space<vmem>>
      %dma_start3A_53 = tpu.memref_squeeze %dma_start3A_52 : memref<1x50xi32, #tpu.memory_space<vmem>> -> memref<50xi32, #tpu.memory_space<vmem>>
      %dma_start3A_54 = arith.constant 0 : i32
      %dma_start3A_55 = arith.constant 0 : i32
      %dma_start3A_56 = tpu.memref_slice %arg2[%dma_start3A_54, %dma_start3A_55] : memref<100000x64xf32, #tpu.memory_space<hbm>> -> memref<100000x64xf32, #tpu.memory_space<hbm>>
      tpu.enqueue_indirect_dma source(%dma_start3A_56 : memref<100000x64xf32, #tpu.memory_space<hbm>>) target(%dma_start3A_50 : memref<50x64xf32, #tpu.memory_space<vmem>>) offsets(%dma_start3A_53 : memref<50xi32, #tpu.memory_space<vmem>>) semaphore(%arg8 : memref<!tpu.dma_semaphore, #tpu.memory_space<semaphore_mem>>)
      %mul3A_57 = arith.constant 8 : i32
      %mul3A_58 = arith.muli %add3A_25, %mul3A_57 : i32
      %add3A_59 = arith.constant 2 : i32
      %add3A_60 = arith.addi %mul3A_58, %add3A_59 : i32
      %dma_start3A_61 = arith.constant 2 : i32
      %dma_start3A_62 = arith.constant 0 : i32
      %dma_start3A_63 = arith.constant 0 : i32
      %dma_start3A_64 = tpu.memref_slice %arg6[%dma_start3A_61, %dma_start3A_62, %dma_start3A_63] : memref<8x50x64xf32, #tpu.memory_space<vmem>> -> memref<1x50x64xf32, #tpu.memory_space<vmem>>
      %dma_start3A_65 = tpu.memref_squeeze %dma_start3A_64 : memref<1x50x64xf32, #tpu.memory_space<vmem>> -> memref<50x64xf32, #tpu.memory_space<vmem>>
      %dma_start3A_66 = arith.constant 0 : i32
      %dma_start3A_67 = tpu.memref_slice %arg5[%add3A_60, %dma_start3A_66] : memref<128x50xi32, #tpu.memory_space<vmem>> -> memref<1x50xi32, #tpu.memory_space<vmem>>
      %dma_start3A_68 = tpu.memref_squeeze %dma_start3A_67 : memref<1x50xi32, #tpu.memory_space<vmem>> -> memref<50xi32, #tpu.memory_space<vmem>>
      %dma_start3A_69 = arith.constant 0 : i32
      %dma_start3A_70 = arith.constant 0 : i32
      %dma_start3A_71 = tpu.memref_slice %arg2[%dma_start3A_69, %dma_start3A_70] : memref<100000x64xf32, #tpu.memory_space<hbm>> -> memref<100000x64xf32, #tpu.memory_space<hbm>>
      tpu.enqueue_indirect_dma source(%dma_start3A_71 : memref<100000x64xf32, #tpu.memory_space<hbm>>) target(%dma_start3A_65 : memref<50x64xf32, #tpu.memory_space<vmem>>) offsets(%dma_start3A_68 : memref<50xi32, #tpu.memory_space<vmem>>) semaphore(%arg8 : memref<!tpu.dma_semaphore, #tpu.memory_space<semaphore_mem>>)
      %mul3A_72 = arith.constant 8 : i32
      %mul3A_73 = arith.muli %add3A_25, %mul3A_72 : i32
      %add3A_74 = arith.constant 3 : i32
      %add3A_75 = arith.addi %mul3A_73, %add3A_74 : i32
      %dma_start3A_76 = arith.constant 3 : i32
      %dma_start3A_77 = arith.constant 0 : i32
      %dma_start3A_78 = arith.constant 0 : i32
      %dma_start3A_79 = tpu.memref_slice %arg6[%dma_start3A_76, %dma_start3A_77, %dma_start3A_78] : memref<8x50x64xf32, #tpu.memory_space<vmem>> -> memref<1x50x64xf32, #tpu.memory_space<vmem>>
      %dma_start3A_80 = tpu.memref_squeeze %dma_start3A_79 : memref<1x50x64xf32, #tpu.memory_space<vmem>> -> memref<50x64xf32, #tpu.memory_space<vmem>>
      %dma_start3A_81 = arith.constant 0 : i32
      %dma_start3A_82 = tpu.memref_slice %arg5[%add3A_75, %dma_start3A_81] : memref<128x50xi32, #tpu.memory_space<vmem>> -> memref<1x50xi32, #tpu.memory_space<vmem>>
      %dma_start3A_83 = tpu.memref_squeeze %dma_start3A_82 : memref<1x50xi32, #tpu.memory_space<vmem>> -> memref<50xi32, #tpu.memory_space<vmem>>
      %dma_start3A_84 = arith.constant 0 : i32
      %dma_start3A_85 = arith.constant 0 : i32
      %dma_start3A_86 = tpu.memref_slice %arg2[%dma_start3A_84, %dma_start3A_85] : memref<100000x64xf32, #tpu.memory_space<hbm>> -> memref<100000x64xf32, #tpu.memory_space<hbm>>
      tpu.enqueue_indirect_dma source(%dma_start3A_86 : memref<100000x64xf32, #tpu.memory_space<hbm>>) target(%dma_start3A_80 : memref<50x64xf32, #tpu.memory_space<vmem>>) offsets(%dma_start3A_83 : memref<50xi32, #tpu.memory_space<vmem>>) semaphore(%arg8 : memref<!tpu.dma_semaphore, #tpu.memory_space<semaphore_mem>>)
      %mul3A_87 = arith.constant 8 : i32
      %mul3A_88 = arith.muli %add3A_25, %mul3A_87 : i32
      %add3A_89 = arith.constant 4 : i32
      %add3A_90 = arith.addi %mul3A_88, %add3A_89 : i32
      %dma_start3A_91 = arith.constant 4 : i32
      %dma_start3A_92 = arith.constant 0 : i32
      %dma_start3A_93 = arith.constant 0 : i32
      %dma_start3A_94 = tpu.memref_slice %arg6[%dma_start3A_91, %dma_start3A_92, %dma_start3A_93] : memref<8x50x64xf32, #tpu.memory_space<vmem>> -> memref<1x50x64xf32, #tpu.memory_space<vmem>>
      %dma_start3A_95 = tpu.memref_squeeze %dma_start3A_94 : memref<1x50x64xf32, #tpu.memory_space<vmem>> -> memref<50x64xf32, #tpu.memory_space<vmem>>
      %dma_start3A_96 = arith.constant 0 : i32
      %dma_start3A_97 = tpu.memref_slice %arg5[%add3A_90, %dma_start3A_96] : memref<128x50xi32, #tpu.memory_space<vmem>> -> memref<1x50xi32, #tpu.memory_space<vmem>>
      %dma_start3A_98 = tpu.memref_squeeze %dma_start3A_97 : memref<1x50xi32, #tpu.memory_space<vmem>> -> memref<50xi32, #tpu.memory_space<vmem>>
      %dma_start3A_99 = arith.constant 0 : i32
      %dma_start3A_100 = arith.constant 0 : i32
      %dma_start3A_101 = tpu.memref_slice %arg2[%dma_start3A_99, %dma_start3A_100] : memref<100000x64xf32, #tpu.memory_space<hbm>> -> memref<100000x64xf32, #tpu.memory_space<hbm>>
      tpu.enqueue_indirect_dma source(%dma_start3A_101 : memref<100000x64xf32, #tpu.memory_space<hbm>>) target(%dma_start3A_95 : memref<50x64xf32, #tpu.memory_space<vmem>>) offsets(%dma_start3A_98 : memref<50xi32, #tpu.memory_space<vmem>>) semaphore(%arg8 : memref<!tpu.dma_semaphore, #tpu.memory_space<semaphore_mem>>)
      %mul3A_102 = arith.constant 8 : i32
      %mul3A_103 = arith.muli %add3A_25, %mul3A_102 : i32
      %add3A_104 = arith.constant 5 : i32
      %add3A_105 = arith.addi %mul3A_103, %add3A_104 : i32
      %dma_start3A_106 = arith.constant 5 : i32
      %dma_start3A_107 = arith.constant 0 : i32
      %dma_start3A_108 = arith.constant 0 : i32
      %dma_start3A_109 = tpu.memref_slice %arg6[%dma_start3A_106, %dma_start3A_107, %dma_start3A_108] : memref<8x50x64xf32, #tpu.memory_space<vmem>> -> memref<1x50x64xf32, #tpu.memory_space<vmem>>
      %dma_start3A_110 = tpu.memref_squeeze %dma_start3A_109 : memref<1x50x64xf32, #tpu.memory_space<vmem>> -> memref<50x64xf32, #tpu.memory_space<vmem>>
      %dma_start3A_111 = arith.constant 0 : i32
      %dma_start3A_112 = tpu.memref_slice %arg5[%add3A_105, %dma_start3A_111] : memref<128x50xi32, #tpu.memory_space<vmem>> -> memref<1x50xi32, #tpu.memory_space<vmem>>
      %dma_start3A_113 = tpu.memref_squeeze %dma_start3A_112 : memref<1x50xi32, #tpu.memory_space<vmem>> -> memref<50xi32, #tpu.memory_space<vmem>>
      %dma_start3A_114 = arith.constant 0 : i32
      %dma_start3A_115 = arith.constant 0 : i32
      %dma_start3A_116 = tpu.memref_slice %arg2[%dma_start3A_114, %dma_start3A_115] : memref<100000x64xf32, #tpu.memory_space<hbm>> -> memref<100000x64xf32, #tpu.memory_space<hbm>>
      tpu.enqueue_indirect_dma source(%dma_start3A_116 : memref<100000x64xf32, #tpu.memory_space<hbm>>) target(%dma_start3A_110 : memref<50x64xf32, #tpu.memory_space<vmem>>) offsets(%dma_start3A_113 : memref<50xi32, #tpu.memory_space<vmem>>) semaphore(%arg8 : memref<!tpu.dma_semaphore, #tpu.memory_space<semaphore_mem>>)
      %mul3A_117 = arith.constant 8 : i32
      %mul3A_118 = arith.muli %add3A_25, %mul3A_117 : i32
      %add3A_119 = arith.constant 6 : i32
      %add3A_120 = arith.addi %mul3A_118, %add3A_119 : i32
      %dma_start3A_121 = arith.constant 6 : i32
      %dma_start3A_122 = arith.constant 0 : i32
      %dma_start3A_123 = arith.constant 0 : i32
      %dma_start3A_124 = tpu.memref_slice %arg6[%dma_start3A_121, %dma_start3A_122, %dma_start3A_123] : memref<8x50x64xf32, #tpu.memory_space<vmem>> -> memref<1x50x64xf32, #tpu.memory_space<vmem>>
      %dma_start3A_125 = tpu.memref_squeeze %dma_start3A_124 : memref<1x50x64xf32, #tpu.memory_space<vmem>> -> memref<50x64xf32, #tpu.memory_space<vmem>>
      %dma_start3A_126 = arith.constant 0 : i32
      %dma_start3A_127 = tpu.memref_slice %arg5[%add3A_120, %dma_start3A_126] : memref<128x50xi32, #tpu.memory_space<vmem>> -> memref<1x50xi32, #tpu.memory_space<vmem>>
      %dma_start3A_128 = tpu.memref_squeeze %dma_start3A_127 : memref<1x50xi32, #tpu.memory_space<vmem>> -> memref<50xi32, #tpu.memory_space<vmem>>
      %dma_start3A_129 = arith.constant 0 : i32
      %dma_start3A_130 = arith.constant 0 : i32
      %dma_start3A_131 = tpu.memref_slice %arg2[%dma_start3A_129, %dma_start3A_130] : memref<100000x64xf32, #tpu.memory_space<hbm>> -> memref<100000x64xf32, #tpu.memory_space<hbm>>
      tpu.enqueue_indirect_dma source(%dma_start3A_131 : memref<100000x64xf32, #tpu.memory_space<hbm>>) target(%dma_start3A_125 : memref<50x64xf32, #tpu.memory_space<vmem>>) offsets(%dma_start3A_128 : memref<50xi32, #tpu.memory_space<vmem>>) semaphore(%arg8 : memref<!tpu.dma_semaphore, #tpu.memory_space<semaphore_mem>>)
      %mul3A_132 = arith.constant 8 : i32
      %mul3A_133 = arith.muli %add3A_25, %mul3A_132 : i32
      %add3A_134 = arith.constant 7 : i32
      %add3A_135 = arith.addi %mul3A_133, %add3A_134 : i32
      %dma_start3A_136 = arith.constant 7 : i32
      %dma_start3A_137 = arith.constant 0 : i32
      %dma_start3A_138 = arith.constant 0 : i32
      %dma_start3A_139 = tpu.memref_slice %arg6[%dma_start3A_136, %dma_start3A_137, %dma_start3A_138] : memref<8x50x64xf32, #tpu.memory_space<vmem>> -> memref<1x50x64xf32, #tpu.memory_space<vmem>>
      %dma_start3A_140 = tpu.memref_squeeze %dma_start3A_139 : memref<1x50x64xf32, #tpu.memory_space<vmem>> -> memref<50x64xf32, #tpu.memory_space<vmem>>
      %dma_start3A_141 = arith.constant 0 : i32
      %dma_start3A_142 = tpu.memref_slice %arg5[%add3A_135, %dma_start3A_141] : memref<128x50xi32, #tpu.memory_space<vmem>> -> memref<1x50xi32, #tpu.memory_space<vmem>>
      %dma_start3A_143 = tpu.memref_squeeze %dma_start3A_142 : memref<1x50xi32, #tpu.memory_space<vmem>> -> memref<50xi32, #tpu.memory_space<vmem>>
      %dma_start3A_144 = arith.constant 0 : i32
      %dma_start3A_145 = arith.constant 0 : i32
      %dma_start3A_146 = tpu.memref_slice %arg2[%dma_start3A_144, %dma_start3A_145] : memref<100000x64xf32, #tpu.memory_space<hbm>> -> memref<100000x64xf32, #tpu.memory_space<hbm>>
      tpu.enqueue_indirect_dma source(%dma_start3A_146 : memref<100000x64xf32, #tpu.memory_space<hbm>>) target(%dma_start3A_140 : memref<50x64xf32, #tpu.memory_space<vmem>>) offsets(%dma_start3A_143 : memref<50xi32, #tpu.memory_space<vmem>>) semaphore(%arg8 : memref<!tpu.dma_semaphore, #tpu.memory_space<semaphore_mem>>)
      %mul3A_147 = arith.constant 2 : i32
      %mul3A_148 = arith.muli %scan3A_20, %mul3A_147 : i32
      %add3A_149 = arith.constant 1 : i32
      %add3A_150 = arith.addi %mul3A_148, %add3A_149 : i32
      %ge3A_151 = arith.constant 1 : i32
      %ge3A_152 = arith.cmpi sge, %scan3A_20, %ge3A_151 : i32
      %convert_element_type3A_153 = arith.extui %ge3A_152 : i1 to i32
      %cond3A_154 = arith.constant 0 : i32
      %cond3A_155 = arith.cmpi ne, %convert_element_type3A_153, %cond3A_154 : i32
      scf.if %cond3A_155 {
        %dma_wait3A_479 = arith.constant 0 : i32
        %dma_wait3A_480 = arith.constant 0 : i32
        %dma_wait3A_481 = tpu.memref_slice %arg4[%mul3A_2, %dma_wait3A_479, %dma_wait3A_480] : memref<4096x50x64xf32, #tpu.memory_space<hbm>> -> memref<8x50x64xf32, #tpu.memory_space<hbm>>
        %dma_wait3A_482 = arith.constant 0 : i32
        %dma_wait3A_483 = arith.constant 0 : i32
        %dma_wait3A_484 = tpu.memref_slice %arg4[%mul3A_2, %dma_wait3A_482, %dma_wait3A_483] : memref<4096x50x64xf32, #tpu.memory_space<hbm>> -> memref<8x50x64xf32, #tpu.memory_space<hbm>>
        tpu.wait_dma2 semaphore(%arg9 : memref<!tpu.dma_semaphore, #tpu.memory_space<semaphore_mem>>) src(%arg6 : memref<8x50x64xf32, #tpu.memory_space<vmem>>) dst(%dma_wait3A_484 : memref<8x50x64xf32, #tpu.memory_space<hbm>>)
      } else {
      }
      %mul3A_156 = arith.constant 8 : i32
      %mul3A_157 = arith.muli %add3A_150, %mul3A_156 : i32
      %add3A_158 = arith.constant 0 : i32
      %add3A_159 = arith.addi %mul3A_157, %add3A_158 : i32
      %dma_start3A_160 = arith.constant 0 : i32
      %dma_start3A_161 = arith.constant 0 : i32
      %dma_start3A_162 = arith.constant 0 : i32
      %dma_start3A_163 = tpu.memref_slice %arg7[%dma_start3A_160, %dma_start3A_161, %dma_start3A_162] : memref<8x50x64xf32, #tpu.memory_space<vmem>> -> memref<1x50x64xf32, #tpu.memory_space<vmem>>
      %dma_start3A_164 = tpu.memref_squeeze %dma_start3A_163 : memref<1x50x64xf32, #tpu.memory_space<vmem>> -> memref<50x64xf32, #tpu.memory_space<vmem>>
      %dma_start3A_165 = arith.constant 0 : i32
      %dma_start3A_166 = tpu.memref_slice %arg5[%add3A_159, %dma_start3A_165] : memref<128x50xi32, #tpu.memory_space<vmem>> -> memref<1x50xi32, #tpu.memory_space<vmem>>
      %dma_start3A_167 = tpu.memref_squeeze %dma_start3A_166 : memref<1x50xi32, #tpu.memory_space<vmem>> -> memref<50xi32, #tpu.memory_space<vmem>>
      %dma_start3A_168 = arith.constant 0 : i32
      %dma_start3A_169 = arith.constant 0 : i32
      %dma_start3A_170 = tpu.memref_slice %arg2[%dma_start3A_168, %dma_start3A_169] : memref<100000x64xf32, #tpu.memory_space<hbm>> -> memref<100000x64xf32, #tpu.memory_space<hbm>>
      tpu.enqueue_indirect_dma source(%dma_start3A_170 : memref<100000x64xf32, #tpu.memory_space<hbm>>) target(%dma_start3A_164 : memref<50x64xf32, #tpu.memory_space<vmem>>) offsets(%dma_start3A_167 : memref<50xi32, #tpu.memory_space<vmem>>) semaphore(%arg8 : memref<!tpu.dma_semaphore, #tpu.memory_space<semaphore_mem>>)
      %mul3A_171 = arith.constant 8 : i32
      %mul3A_172 = arith.muli %add3A_150, %mul3A_171 : i32
      %add3A_173 = arith.constant 1 : i32
      %add3A_174 = arith.addi %mul3A_172, %add3A_173 : i32
      %dma_start3A_175 = arith.constant 1 : i32
      %dma_start3A_176 = arith.constant 0 : i32
      %dma_start3A_177 = arith.constant 0 : i32
      %dma_start3A_178 = tpu.memref_slice %arg7[%dma_start3A_175, %dma_start3A_176, %dma_start3A_177] : memref<8x50x64xf32, #tpu.memory_space<vmem>> -> memref<1x50x64xf32, #tpu.memory_space<vmem>>
      %dma_start3A_179 = tpu.memref_squeeze %dma_start3A_178 : memref<1x50x64xf32, #tpu.memory_space<vmem>> -> memref<50x64xf32, #tpu.memory_space<vmem>>
      %dma_start3A_180 = arith.constant 0 : i32
      %dma_start3A_181 = tpu.memref_slice %arg5[%add3A_174, %dma_start3A_180] : memref<128x50xi32, #tpu.memory_space<vmem>> -> memref<1x50xi32, #tpu.memory_space<vmem>>
      %dma_start3A_182 = tpu.memref_squeeze %dma_start3A_181 : memref<1x50xi32, #tpu.memory_space<vmem>> -> memref<50xi32, #tpu.memory_space<vmem>>
      %dma_start3A_183 = arith.constant 0 : i32
      %dma_start3A_184 = arith.constant 0 : i32
      %dma_start3A_185 = tpu.memref_slice %arg2[%dma_start3A_183, %dma_start3A_184] : memref<100000x64xf32, #tpu.memory_space<hbm>> -> memref<100000x64xf32, #tpu.memory_space<hbm>>
      tpu.enqueue_indirect_dma source(%dma_start3A_185 : memref<100000x64xf32, #tpu.memory_space<hbm>>) target(%dma_start3A_179 : memref<50x64xf32, #tpu.memory_space<vmem>>) offsets(%dma_start3A_182 : memref<50xi32, #tpu.memory_space<vmem>>) semaphore(%arg8 : memref<!tpu.dma_semaphore, #tpu.memory_space<semaphore_mem>>)
      %mul3A_186 = arith.constant 8 : i32
      %mul3A_187 = arith.muli %add3A_150, %mul3A_186 : i32
      %add3A_188 = arith.constant 2 : i32
      %add3A_189 = arith.addi %mul3A_187, %add3A_188 : i32
      %dma_start3A_190 = arith.constant 2 : i32
      %dma_start3A_191 = arith.constant 0 : i32
      %dma_start3A_192 = arith.constant 0 : i32
      %dma_start3A_193 = tpu.memref_slice %arg7[%dma_start3A_190, %dma_start3A_191, %dma_start3A_192] : memref<8x50x64xf32, #tpu.memory_space<vmem>> -> memref<1x50x64xf32, #tpu.memory_space<vmem>>
      %dma_start3A_194 = tpu.memref_squeeze %dma_start3A_193 : memref<1x50x64xf32, #tpu.memory_space<vmem>> -> memref<50x64xf32, #tpu.memory_space<vmem>>
      %dma_start3A_195 = arith.constant 0 : i32
      %dma_start3A_196 = tpu.memref_slice %arg5[%add3A_189, %dma_start3A_195] : memref<128x50xi32, #tpu.memory_space<vmem>> -> memref<1x50xi32, #tpu.memory_space<vmem>>
      %dma_start3A_197 = tpu.memref_squeeze %dma_start3A_196 : memref<1x50xi32, #tpu.memory_space<vmem>> -> memref<50xi32, #tpu.memory_space<vmem>>
      %dma_start3A_198 = arith.constant 0 : i32
      %dma_start3A_199 = arith.constant 0 : i32
      %dma_start3A_200 = tpu.memref_slice %arg2[%dma_start3A_198, %dma_start3A_199] : memref<100000x64xf32, #tpu.memory_space<hbm>> -> memref<100000x64xf32, #tpu.memory_space<hbm>>
      tpu.enqueue_indirect_dma source(%dma_start3A_200 : memref<100000x64xf32, #tpu.memory_space<hbm>>) target(%dma_start3A_194 : memref<50x64xf32, #tpu.memory_space<vmem>>) offsets(%dma_start3A_197 : memref<50xi32, #tpu.memory_space<vmem>>) semaphore(%arg8 : memref<!tpu.dma_semaphore, #tpu.memory_space<semaphore_mem>>)
      %mul3A_201 = arith.constant 8 : i32
      %mul3A_202 = arith.muli %add3A_150, %mul3A_201 : i32
      %add3A_203 = arith.constant 3 : i32
      %add3A_204 = arith.addi %mul3A_202, %add3A_203 : i32
      %dma_start3A_205 = arith.constant 3 : i32
      %dma_start3A_206 = arith.constant 0 : i32
      %dma_start3A_207 = arith.constant 0 : i32
      %dma_start3A_208 = tpu.memref_slice %arg7[%dma_start3A_205, %dma_start3A_206, %dma_start3A_207] : memref<8x50x64xf32, #tpu.memory_space<vmem>> -> memref<1x50x64xf32, #tpu.memory_space<vmem>>
      %dma_start3A_209 = tpu.memref_squeeze %dma_start3A_208 : memref<1x50x64xf32, #tpu.memory_space<vmem>> -> memref<50x64xf32, #tpu.memory_space<vmem>>
      %dma_start3A_210 = arith.constant 0 : i32
      %dma_start3A_211 = tpu.memref_slice %arg5[%add3A_204, %dma_start3A_210] : memref<128x50xi32, #tpu.memory_space<vmem>> -> memref<1x50xi32, #tpu.memory_space<vmem>>
      %dma_start3A_212 = tpu.memref_squeeze %dma_start3A_211 : memref<1x50xi32, #tpu.memory_space<vmem>> -> memref<50xi32, #tpu.memory_space<vmem>>
      %dma_start3A_213 = arith.constant 0 : i32
      %dma_start3A_214 = arith.constant 0 : i32
      %dma_start3A_215 = tpu.memref_slice %arg2[%dma_start3A_213, %dma_start3A_214] : memref<100000x64xf32, #tpu.memory_space<hbm>> -> memref<100000x64xf32, #tpu.memory_space<hbm>>
      tpu.enqueue_indirect_dma source(%dma_start3A_215 : memref<100000x64xf32, #tpu.memory_space<hbm>>) target(%dma_start3A_209 : memref<50x64xf32, #tpu.memory_space<vmem>>) offsets(%dma_start3A_212 : memref<50xi32, #tpu.memory_space<vmem>>) semaphore(%arg8 : memref<!tpu.dma_semaphore, #tpu.memory_space<semaphore_mem>>)
      %mul3A_216 = arith.constant 8 : i32
      %mul3A_217 = arith.muli %add3A_150, %mul3A_216 : i32
      %add3A_218 = arith.constant 4 : i32
      %add3A_219 = arith.addi %mul3A_217, %add3A_218 : i32
      %dma_start3A_220 = arith.constant 4 : i32
      %dma_start3A_221 = arith.constant 0 : i32
      %dma_start3A_222 = arith.constant 0 : i32
      %dma_start3A_223 = tpu.memref_slice %arg7[%dma_start3A_220, %dma_start3A_221, %dma_start3A_222] : memref<8x50x64xf32, #tpu.memory_space<vmem>> -> memref<1x50x64xf32, #tpu.memory_space<vmem>>
      %dma_start3A_224 = tpu.memref_squeeze %dma_start3A_223 : memref<1x50x64xf32, #tpu.memory_space<vmem>> -> memref<50x64xf32, #tpu.memory_space<vmem>>
      %dma_start3A_225 = arith.constant 0 : i32
      %dma_start3A_226 = tpu.memref_slice %arg5[%add3A_219, %dma_start3A_225] : memref<128x50xi32, #tpu.memory_space<vmem>> -> memref<1x50xi32, #tpu.memory_space<vmem>>
      %dma_start3A_227 = tpu.memref_squeeze %dma_start3A_226 : memref<1x50xi32, #tpu.memory_space<vmem>> -> memref<50xi32, #tpu.memory_space<vmem>>
      %dma_start3A_228 = arith.constant 0 : i32
      %dma_start3A_229 = arith.constant 0 : i32
      %dma_start3A_230 = tpu.memref_slice %arg2[%dma_start3A_228, %dma_start3A_229] : memref<100000x64xf32, #tpu.memory_space<hbm>> -> memref<100000x64xf32, #tpu.memory_space<hbm>>
      tpu.enqueue_indirect_dma source(%dma_start3A_230 : memref<100000x64xf32, #tpu.memory_space<hbm>>) target(%dma_start3A_224 : memref<50x64xf32, #tpu.memory_space<vmem>>) offsets(%dma_start3A_227 : memref<50xi32, #tpu.memory_space<vmem>>) semaphore(%arg8 : memref<!tpu.dma_semaphore, #tpu.memory_space<semaphore_mem>>)
      %mul3A_231 = arith.constant 8 : i32
      %mul3A_232 = arith.muli %add3A_150, %mul3A_231 : i32
      %add3A_233 = arith.constant 5 : i32
      %add3A_234 = arith.addi %mul3A_232, %add3A_233 : i32
      %dma_start3A_235 = arith.constant 5 : i32
      %dma_start3A_236 = arith.constant 0 : i32
      %dma_start3A_237 = arith.constant 0 : i32
      %dma_start3A_238 = tpu.memref_slice %arg7[%dma_start3A_235, %dma_start3A_236, %dma_start3A_237] : memref<8x50x64xf32, #tpu.memory_space<vmem>> -> memref<1x50x64xf32, #tpu.memory_space<vmem>>
      %dma_start3A_239 = tpu.memref_squeeze %dma_start3A_238 : memref<1x50x64xf32, #tpu.memory_space<vmem>> -> memref<50x64xf32, #tpu.memory_space<vmem>>
      %dma_start3A_240 = arith.constant 0 : i32
      %dma_start3A_241 = tpu.memref_slice %arg5[%add3A_234, %dma_start3A_240] : memref<128x50xi32, #tpu.memory_space<vmem>> -> memref<1x50xi32, #tpu.memory_space<vmem>>
      %dma_start3A_242 = tpu.memref_squeeze %dma_start3A_241 : memref<1x50xi32, #tpu.memory_space<vmem>> -> memref<50xi32, #tpu.memory_space<vmem>>
      %dma_start3A_243 = arith.constant 0 : i32
      %dma_start3A_244 = arith.constant 0 : i32
      %dma_start3A_245 = tpu.memref_slice %arg2[%dma_start3A_243, %dma_start3A_244] : memref<100000x64xf32, #tpu.memory_space<hbm>> -> memref<100000x64xf32, #tpu.memory_space<hbm>>
      tpu.enqueue_indirect_dma source(%dma_start3A_245 : memref<100000x64xf32, #tpu.memory_space<hbm>>) target(%dma_start3A_239 : memref<50x64xf32, #tpu.memory_space<vmem>>) offsets(%dma_start3A_242 : memref<50xi32, #tpu.memory_space<vmem>>) semaphore(%arg8 : memref<!tpu.dma_semaphore, #tpu.memory_space<semaphore_mem>>)
      %mul3A_246 = arith.constant 8 : i32
      %mul3A_247 = arith.muli %add3A_150, %mul3A_246 : i32
      %add3A_248 = arith.constant 6 : i32
      %add3A_249 = arith.addi %mul3A_247, %add3A_248 : i32
      %dma_start3A_250 = arith.constant 6 : i32
      %dma_start3A_251 = arith.constant 0 : i32
      %dma_start3A_252 = arith.constant 0 : i32
      %dma_start3A_253 = tpu.memref_slice %arg7[%dma_start3A_250, %dma_start3A_251, %dma_start3A_252] : memref<8x50x64xf32, #tpu.memory_space<vmem>> -> memref<1x50x64xf32, #tpu.memory_space<vmem>>
      %dma_start3A_254 = tpu.memref_squeeze %dma_start3A_253 : memref<1x50x64xf32, #tpu.memory_space<vmem>> -> memref<50x64xf32, #tpu.memory_space<vmem>>
      %dma_start3A_255 = arith.constant 0 : i32
      %dma_start3A_256 = tpu.memref_slice %arg5[%add3A_249, %dma_start3A_255] : memref<128x50xi32, #tpu.memory_space<vmem>> -> memref<1x50xi32, #tpu.memory_space<vmem>>
      %dma_start3A_257 = tpu.memref_squeeze %dma_start3A_256 : memref<1x50xi32, #tpu.memory_space<vmem>> -> memref<50xi32, #tpu.memory_space<vmem>>
      %dma_start3A_258 = arith.constant 0 : i32
      %dma_start3A_259 = arith.constant 0 : i32
      %dma_start3A_260 = tpu.memref_slice %arg2[%dma_start3A_258, %dma_start3A_259] : memref<100000x64xf32, #tpu.memory_space<hbm>> -> memref<100000x64xf32, #tpu.memory_space<hbm>>
      tpu.enqueue_indirect_dma source(%dma_start3A_260 : memref<100000x64xf32, #tpu.memory_space<hbm>>) target(%dma_start3A_254 : memref<50x64xf32, #tpu.memory_space<vmem>>) offsets(%dma_start3A_257 : memref<50xi32, #tpu.memory_space<vmem>>) semaphore(%arg8 : memref<!tpu.dma_semaphore, #tpu.memory_space<semaphore_mem>>)
      %mul3A_261 = arith.constant 8 : i32
      %mul3A_262 = arith.muli %add3A_150, %mul3A_261 : i32
      %add3A_263 = arith.constant 7 : i32
      %add3A_264 = arith.addi %mul3A_262, %add3A_263 : i32
      %dma_start3A_265 = arith.constant 7 : i32
      %dma_start3A_266 = arith.constant 0 : i32
      %dma_start3A_267 = arith.constant 0 : i32
      %dma_start3A_268 = tpu.memref_slice %arg7[%dma_start3A_265, %dma_start3A_266, %dma_start3A_267] : memref<8x50x64xf32, #tpu.memory_space<vmem>> -> memref<1x50x64xf32, #tpu.memory_space<vmem>>
      %dma_start3A_269 = tpu.memref_squeeze %dma_start3A_268 : memref<1x50x64xf32, #tpu.memory_space<vmem>> -> memref<50x64xf32, #tpu.memory_space<vmem>>
      %dma_start3A_270 = arith.constant 0 : i32
      %dma_start3A_271 = tpu.memref_slice %arg5[%add3A_264, %dma_start3A_270] : memref<128x50xi32, #tpu.memory_space<vmem>> -> memref<1x50xi32, #tpu.memory_space<vmem>>
      %dma_start3A_272 = tpu.memref_squeeze %dma_start3A_271 : memref<1x50xi32, #tpu.memory_space<vmem>> -> memref<50xi32, #tpu.memory_space<vmem>>
      %dma_start3A_273 = arith.constant 0 : i32
      %dma_start3A_274 = arith.constant 0 : i32
      %dma_start3A_275 = tpu.memref_slice %arg2[%dma_start3A_273, %dma_start3A_274] : memref<100000x64xf32, #tpu.memory_space<hbm>> -> memref<100000x64xf32, #tpu.memory_space<hbm>>
      tpu.enqueue_indirect_dma source(%dma_start3A_275 : memref<100000x64xf32, #tpu.memory_space<hbm>>) target(%dma_start3A_269 : memref<50x64xf32, #tpu.memory_space<vmem>>) offsets(%dma_start3A_272 : memref<50xi32, #tpu.memory_space<vmem>>) semaphore(%arg8 : memref<!tpu.dma_semaphore, #tpu.memory_space<semaphore_mem>>)
      %mul3A_276 = arith.constant 2 : i32
      %mul3A_277 = arith.muli %scan3A_20, %mul3A_276 : i32
      %add3A_278 = arith.constant 0 : i32
      %add3A_279 = arith.addi %mul3A_277, %add3A_278 : i32
      %dma_wait3A_280 = arith.constant 0 : i32
      %dma_wait3A_281 = arith.constant 0 : i32
      %dma_wait3A_282 = arith.constant 0 : i32
      %dma_wait3A_283 = tpu.memref_slice %arg6[%dma_wait3A_280, %dma_wait3A_281, %dma_wait3A_282] : memref<8x50x64xf32, #tpu.memory_space<vmem>> -> memref<1x50x64xf32, #tpu.memory_space<vmem>>
      %dma_wait3A_284 = tpu.memref_squeeze %dma_wait3A_283 : memref<1x50x64xf32, #tpu.memory_space<vmem>> -> memref<50x64xf32, #tpu.memory_space<vmem>>
      %dma_wait3A_285 = arith.constant 0 : i32
      %dma_wait3A_286 = tpu.memref_slice %arg5[%add3A_31, %dma_wait3A_285] : memref<128x50xi32, #tpu.memory_space<vmem>> -> memref<1x50xi32, #tpu.memory_space<vmem>>
      %dma_wait3A_287 = tpu.memref_squeeze %dma_wait3A_286 : memref<1x50xi32, #tpu.memory_space<vmem>> -> memref<50xi32, #tpu.memory_space<vmem>>
      %dma_wait3A_288 = arith.constant 0 : i32
      %dma_wait3A_289 = arith.constant 0 : i32
      %dma_wait3A_290 = tpu.memref_slice %arg2[%dma_wait3A_288, %dma_wait3A_289] : memref<100000x64xf32, #tpu.memory_space<hbm>> -> memref<100000x64xf32, #tpu.memory_space<hbm>>
      tpu.wait_indirect_dma semaphore(%arg8 : memref<!tpu.dma_semaphore, #tpu.memory_space<semaphore_mem>>) src(%dma_wait3A_290 : memref<100000x64xf32, #tpu.memory_space<hbm>>) dst(%dma_wait3A_284 : memref<50x64xf32, #tpu.memory_space<vmem>>)
      %dma_wait3A_291 = arith.constant 1 : i32
      %dma_wait3A_292 = arith.constant 0 : i32
      %dma_wait3A_293 = arith.constant 0 : i32
      %dma_wait3A_294 = tpu.memref_slice %arg6[%dma_wait3A_291, %dma_wait3A_292, %dma_wait3A_293] : memref<8x50x64xf32, #tpu.memory_space<vmem>> -> memref<1x50x64xf32, #tpu.memory_space<vmem>>
      %dma_wait3A_295 = tpu.memref_squeeze %dma_wait3A_294 : memref<1x50x64xf32, #tpu.memory_space<vmem>> -> memref<50x64xf32, #tpu.memory_space<vmem>>
      %dma_wait3A_296 = arith.constant 0 : i32
      %dma_wait3A_297 = tpu.memref_slice %arg5[%add3A_45, %dma_wait3A_296] : memref<128x50xi32, #tpu.memory_space<vmem>> -> memref<1x50xi32, #tpu.memory_space<vmem>>
      %dma_wait3A_298 = tpu.memref_squeeze %dma_wait3A_297 : memref<1x50xi32, #tpu.memory_space<vmem>> -> memref<50xi32, #tpu.memory_space<vmem>>
      %dma_wait3A_299 = arith.constant 0 : i32
      %dma_wait3A_300 = arith.constant 0 : i32
      %dma_wait3A_301 = tpu.memref_slice %arg2[%dma_wait3A_299, %dma_wait3A_300] : memref<100000x64xf32, #tpu.memory_space<hbm>> -> memref<100000x64xf32, #tpu.memory_space<hbm>>
      tpu.wait_indirect_dma semaphore(%arg8 : memref<!tpu.dma_semaphore, #tpu.memory_space<semaphore_mem>>) src(%dma_wait3A_301 : memref<100000x64xf32, #tpu.memory_space<hbm>>) dst(%dma_wait3A_295 : memref<50x64xf32, #tpu.memory_space<vmem>>)
      %dma_wait3A_302 = arith.constant 2 : i32
      %dma_wait3A_303 = arith.constant 0 : i32
      %dma_wait3A_304 = arith.constant 0 : i32
      %dma_wait3A_305 = tpu.memref_slice %arg6[%dma_wait3A_302, %dma_wait3A_303, %dma_wait3A_304] : memref<8x50x64xf32, #tpu.memory_space<vmem>> -> memref<1x50x64xf32, #tpu.memory_space<vmem>>
      %dma_wait3A_306 = tpu.memref_squeeze %dma_wait3A_305 : memref<1x50x64xf32, #tpu.memory_space<vmem>> -> memref<50x64xf32, #tpu.memory_space<vmem>>
      %dma_wait3A_307 = arith.constant 0 : i32
      %dma_wait3A_308 = tpu.memref_slice %arg5[%add3A_60, %dma_wait3A_307] : memref<128x50xi32, #tpu.memory_space<vmem>> -> memref<1x50xi32, #tpu.memory_space<vmem>>
      %dma_wait3A_309 = tpu.memref_squeeze %dma_wait3A_308 : memref<1x50xi32, #tpu.memory_space<vmem>> -> memref<50xi32, #tpu.memory_space<vmem>>
      %dma_wait3A_310 = arith.constant 0 : i32
      %dma_wait3A_311 = arith.constant 0 : i32
      %dma_wait3A_312 = tpu.memref_slice %arg2[%dma_wait3A_310, %dma_wait3A_311] : memref<100000x64xf32, #tpu.memory_space<hbm>> -> memref<100000x64xf32, #tpu.memory_space<hbm>>
      tpu.wait_indirect_dma semaphore(%arg8 : memref<!tpu.dma_semaphore, #tpu.memory_space<semaphore_mem>>) src(%dma_wait3A_312 : memref<100000x64xf32, #tpu.memory_space<hbm>>) dst(%dma_wait3A_306 : memref<50x64xf32, #tpu.memory_space<vmem>>)
      %dma_wait3A_313 = arith.constant 3 : i32
      %dma_wait3A_314 = arith.constant 0 : i32
      %dma_wait3A_315 = arith.constant 0 : i32
      %dma_wait3A_316 = tpu.memref_slice %arg6[%dma_wait3A_313, %dma_wait3A_314, %dma_wait3A_315] : memref<8x50x64xf32, #tpu.memory_space<vmem>> -> memref<1x50x64xf32, #tpu.memory_space<vmem>>
      %dma_wait3A_317 = tpu.memref_squeeze %dma_wait3A_316 : memref<1x50x64xf32, #tpu.memory_space<vmem>> -> memref<50x64xf32, #tpu.memory_space<vmem>>
      %dma_wait3A_318 = arith.constant 0 : i32
      %dma_wait3A_319 = tpu.memref_slice %arg5[%add3A_75, %dma_wait3A_318] : memref<128x50xi32, #tpu.memory_space<vmem>> -> memref<1x50xi32, #tpu.memory_space<vmem>>
      %dma_wait3A_320 = tpu.memref_squeeze %dma_wait3A_319 : memref<1x50xi32, #tpu.memory_space<vmem>> -> memref<50xi32, #tpu.memory_space<vmem>>
      %dma_wait3A_321 = arith.constant 0 : i32
      %dma_wait3A_322 = arith.constant 0 : i32
      %dma_wait3A_323 = tpu.memref_slice %arg2[%dma_wait3A_321, %dma_wait3A_322] : memref<100000x64xf32, #tpu.memory_space<hbm>> -> memref<100000x64xf32, #tpu.memory_space<hbm>>
      tpu.wait_indirect_dma semaphore(%arg8 : memref<!tpu.dma_semaphore, #tpu.memory_space<semaphore_mem>>) src(%dma_wait3A_323 : memref<100000x64xf32, #tpu.memory_space<hbm>>) dst(%dma_wait3A_317 : memref<50x64xf32, #tpu.memory_space<vmem>>)
      %dma_wait3A_324 = arith.constant 4 : i32
      %dma_wait3A_325 = arith.constant 0 : i32
      %dma_wait3A_326 = arith.constant 0 : i32
      %dma_wait3A_327 = tpu.memref_slice %arg6[%dma_wait3A_324, %dma_wait3A_325, %dma_wait3A_326] : memref<8x50x64xf32, #tpu.memory_space<vmem>> -> memref<1x50x64xf32, #tpu.memory_space<vmem>>
      %dma_wait3A_328 = tpu.memref_squeeze %dma_wait3A_327 : memref<1x50x64xf32, #tpu.memory_space<vmem>> -> memref<50x64xf32, #tpu.memory_space<vmem>>
      %dma_wait3A_329 = arith.constant 0 : i32
      %dma_wait3A_330 = tpu.memref_slice %arg5[%add3A_90, %dma_wait3A_329] : memref<128x50xi32, #tpu.memory_space<vmem>> -> memref<1x50xi32, #tpu.memory_space<vmem>>
      %dma_wait3A_331 = tpu.memref_squeeze %dma_wait3A_330 : memref<1x50xi32, #tpu.memory_space<vmem>> -> memref<50xi32, #tpu.memory_space<vmem>>
      %dma_wait3A_332 = arith.constant 0 : i32
      %dma_wait3A_333 = arith.constant 0 : i32
      %dma_wait3A_334 = tpu.memref_slice %arg2[%dma_wait3A_332, %dma_wait3A_333] : memref<100000x64xf32, #tpu.memory_space<hbm>> -> memref<100000x64xf32, #tpu.memory_space<hbm>>
      tpu.wait_indirect_dma semaphore(%arg8 : memref<!tpu.dma_semaphore, #tpu.memory_space<semaphore_mem>>) src(%dma_wait3A_334 : memref<100000x64xf32, #tpu.memory_space<hbm>>) dst(%dma_wait3A_328 : memref<50x64xf32, #tpu.memory_space<vmem>>)
      %dma_wait3A_335 = arith.constant 5 : i32
      %dma_wait3A_336 = arith.constant 0 : i32
      %dma_wait3A_337 = arith.constant 0 : i32
      %dma_wait3A_338 = tpu.memref_slice %arg6[%dma_wait3A_335, %dma_wait3A_336, %dma_wait3A_337] : memref<8x50x64xf32, #tpu.memory_space<vmem>> -> memref<1x50x64xf32, #tpu.memory_space<vmem>>
      %dma_wait3A_339 = tpu.memref_squeeze %dma_wait3A_338 : memref<1x50x64xf32, #tpu.memory_space<vmem>> -> memref<50x64xf32, #tpu.memory_space<vmem>>
      %dma_wait3A_340 = arith.constant 0 : i32
      %dma_wait3A_341 = tpu.memref_slice %arg5[%add3A_105, %dma_wait3A_340] : memref<128x50xi32, #tpu.memory_space<vmem>> -> memref<1x50xi32, #tpu.memory_space<vmem>>
      %dma_wait3A_342 = tpu.memref_squeeze %dma_wait3A_341 : memref<1x50xi32, #tpu.memory_space<vmem>> -> memref<50xi32, #tpu.memory_space<vmem>>
      %dma_wait3A_343 = arith.constant 0 : i32
      %dma_wait3A_344 = arith.constant 0 : i32
      %dma_wait3A_345 = tpu.memref_slice %arg2[%dma_wait3A_343, %dma_wait3A_344] : memref<100000x64xf32, #tpu.memory_space<hbm>> -> memref<100000x64xf32, #tpu.memory_space<hbm>>
      tpu.wait_indirect_dma semaphore(%arg8 : memref<!tpu.dma_semaphore, #tpu.memory_space<semaphore_mem>>) src(%dma_wait3A_345 : memref<100000x64xf32, #tpu.memory_space<hbm>>) dst(%dma_wait3A_339 : memref<50x64xf32, #tpu.memory_space<vmem>>)
      %dma_wait3A_346 = arith.constant 6 : i32
      %dma_wait3A_347 = arith.constant 0 : i32
      %dma_wait3A_348 = arith.constant 0 : i32
      %dma_wait3A_349 = tpu.memref_slice %arg6[%dma_wait3A_346, %dma_wait3A_347, %dma_wait3A_348] : memref<8x50x64xf32, #tpu.memory_space<vmem>> -> memref<1x50x64xf32, #tpu.memory_space<vmem>>
      %dma_wait3A_350 = tpu.memref_squeeze %dma_wait3A_349 : memref<1x50x64xf32, #tpu.memory_space<vmem>> -> memref<50x64xf32, #tpu.memory_space<vmem>>
      %dma_wait3A_351 = arith.constant 0 : i32
      %dma_wait3A_352 = tpu.memref_slice %arg5[%add3A_120, %dma_wait3A_351] : memref<128x50xi32, #tpu.memory_space<vmem>> -> memref<1x50xi32, #tpu.memory_space<vmem>>
      %dma_wait3A_353 = tpu.memref_squeeze %dma_wait3A_352 : memref<1x50xi32, #tpu.memory_space<vmem>> -> memref<50xi32, #tpu.memory_space<vmem>>
      %dma_wait3A_354 = arith.constant 0 : i32
      %dma_wait3A_355 = arith.constant 0 : i32
      %dma_wait3A_356 = tpu.memref_slice %arg2[%dma_wait3A_354, %dma_wait3A_355] : memref<100000x64xf32, #tpu.memory_space<hbm>> -> memref<100000x64xf32, #tpu.memory_space<hbm>>
      tpu.wait_indirect_dma semaphore(%arg8 : memref<!tpu.dma_semaphore, #tpu.memory_space<semaphore_mem>>) src(%dma_wait3A_356 : memref<100000x64xf32, #tpu.memory_space<hbm>>) dst(%dma_wait3A_350 : memref<50x64xf32, #tpu.memory_space<vmem>>)
      %dma_wait3A_357 = arith.constant 7 : i32
      %dma_wait3A_358 = arith.constant 0 : i32
      %dma_wait3A_359 = arith.constant 0 : i32
      %dma_wait3A_360 = tpu.memref_slice %arg6[%dma_wait3A_357, %dma_wait3A_358, %dma_wait3A_359] : memref<8x50x64xf32, #tpu.memory_space<vmem>> -> memref<1x50x64xf32, #tpu.memory_space<vmem>>
      %dma_wait3A_361 = tpu.memref_squeeze %dma_wait3A_360 : memref<1x50x64xf32, #tpu.memory_space<vmem>> -> memref<50x64xf32, #tpu.memory_space<vmem>>
      %dma_wait3A_362 = arith.constant 0 : i32
      %dma_wait3A_363 = tpu.memref_slice %arg5[%add3A_135, %dma_wait3A_362] : memref<128x50xi32, #tpu.memory_space<vmem>> -> memref<1x50xi32, #tpu.memory_space<vmem>>
      %dma_wait3A_364 = tpu.memref_squeeze %dma_wait3A_363 : memref<1x50xi32, #tpu.memory_space<vmem>> -> memref<50xi32, #tpu.memory_space<vmem>>
      %dma_wait3A_365 = arith.constant 0 : i32
      %dma_wait3A_366 = arith.constant 0 : i32
      %dma_wait3A_367 = tpu.memref_slice %arg2[%dma_wait3A_365, %dma_wait3A_366] : memref<100000x64xf32, #tpu.memory_space<hbm>> -> memref<100000x64xf32, #tpu.memory_space<hbm>>
      tpu.wait_indirect_dma semaphore(%arg8 : memref<!tpu.dma_semaphore, #tpu.memory_space<semaphore_mem>>) src(%dma_wait3A_367 : memref<100000x64xf32, #tpu.memory_space<hbm>>) dst(%dma_wait3A_361 : memref<50x64xf32, #tpu.memory_space<vmem>>)
      %mul3A_368 = arith.constant 8 : i32
      %mul3A_369 = arith.muli %add3A_279, %mul3A_368 : i32
      %add3A_370 = arith.addi %mul3A_2, %mul3A_369 : i32
      %dma_start3A_371 = arith.constant 0 : i32
      %dma_start3A_372 = arith.constant 0 : i32
      %dma_start3A_373 = tpu.memref_slice %arg4[%add3A_370, %dma_start3A_371, %dma_start3A_372] : memref<4096x50x64xf32, #tpu.memory_space<hbm>> -> memref<8x50x64xf32, #tpu.memory_space<hbm>>
      %dma_start3A_374 = arith.constant 0 : i32
      %dma_start3A_375 = arith.constant 0 : i32
      %dma_start3A_376 = tpu.memref_slice %arg4[%add3A_370, %dma_start3A_374, %dma_start3A_375] : memref<4096x50x64xf32, #tpu.memory_space<hbm>> -> memref<8x50x64xf32, #tpu.memory_space<hbm>>
      tpu.enqueue_dma source(%arg6 : memref<8x50x64xf32, #tpu.memory_space<vmem>>) target(%dma_start3A_376 : memref<8x50x64xf32, #tpu.memory_space<hbm>>) target_semaphore(%arg9 : memref<!tpu.dma_semaphore, #tpu.memory_space<semaphore_mem>>)
      %mul3A_377 = arith.constant 2 : i32
      %mul3A_378 = arith.muli %scan3A_20, %mul3A_377 : i32
      %add3A_379 = arith.constant 1 : i32
      %add3A_380 = arith.addi %mul3A_378, %add3A_379 : i32
      %dma_wait3A_381 = arith.constant 0 : i32
      %dma_wait3A_382 = arith.constant 0 : i32
      %dma_wait3A_383 = arith.constant 0 : i32
      %dma_wait3A_384 = tpu.memref_slice %arg7[%dma_wait3A_381, %dma_wait3A_382, %dma_wait3A_383] : memref<8x50x64xf32, #tpu.memory_space<vmem>> -> memref<1x50x64xf32, #tpu.memory_space<vmem>>
      %dma_wait3A_385 = tpu.memref_squeeze %dma_wait3A_384 : memref<1x50x64xf32, #tpu.memory_space<vmem>> -> memref<50x64xf32, #tpu.memory_space<vmem>>
      %dma_wait3A_386 = arith.constant 0 : i32
      %dma_wait3A_387 = tpu.memref_slice %arg5[%add3A_159, %dma_wait3A_386] : memref<128x50xi32, #tpu.memory_space<vmem>> -> memref<1x50xi32, #tpu.memory_space<vmem>>
      %dma_wait3A_388 = tpu.memref_squeeze %dma_wait3A_387 : memref<1x50xi32, #tpu.memory_space<vmem>> -> memref<50xi32, #tpu.memory_space<vmem>>
      %dma_wait3A_389 = arith.constant 0 : i32
      %dma_wait3A_390 = arith.constant 0 : i32
      %dma_wait3A_391 = tpu.memref_slice %arg2[%dma_wait3A_389, %dma_wait3A_390] : memref<100000x64xf32, #tpu.memory_space<hbm>> -> memref<100000x64xf32, #tpu.memory_space<hbm>>
      tpu.wait_indirect_dma semaphore(%arg8 : memref<!tpu.dma_semaphore, #tpu.memory_space<semaphore_mem>>) src(%dma_wait3A_391 : memref<100000x64xf32, #tpu.memory_space<hbm>>) dst(%dma_wait3A_385 : memref<50x64xf32, #tpu.memory_space<vmem>>)
      %dma_wait3A_392 = arith.constant 1 : i32
      %dma_wait3A_393 = arith.constant 0 : i32
      %dma_wait3A_394 = arith.constant 0 : i32
      %dma_wait3A_395 = tpu.memref_slice %arg7[%dma_wait3A_392, %dma_wait3A_393, %dma_wait3A_394] : memref<8x50x64xf32, #tpu.memory_space<vmem>> -> memref<1x50x64xf32, #tpu.memory_space<vmem>>
      %dma_wait3A_396 = tpu.memref_squeeze %dma_wait3A_395 : memref<1x50x64xf32, #tpu.memory_space<vmem>> -> memref<50x64xf32, #tpu.memory_space<vmem>>
      %dma_wait3A_397 = arith.constant 0 : i32
      %dma_wait3A_398 = tpu.memref_slice %arg5[%add3A_174, %dma_wait3A_397] : memref<128x50xi32, #tpu.memory_space<vmem>> -> memref<1x50xi32, #tpu.memory_space<vmem>>
      %dma_wait3A_399 = tpu.memref_squeeze %dma_wait3A_398 : memref<1x50xi32, #tpu.memory_space<vmem>> -> memref<50xi32, #tpu.memory_space<vmem>>
      %dma_wait3A_400 = arith.constant 0 : i32
      %dma_wait3A_401 = arith.constant 0 : i32
      %dma_wait3A_402 = tpu.memref_slice %arg2[%dma_wait3A_400, %dma_wait3A_401] : memref<100000x64xf32, #tpu.memory_space<hbm>> -> memref<100000x64xf32, #tpu.memory_space<hbm>>
      tpu.wait_indirect_dma semaphore(%arg8 : memref<!tpu.dma_semaphore, #tpu.memory_space<semaphore_mem>>) src(%dma_wait3A_402 : memref<100000x64xf32, #tpu.memory_space<hbm>>) dst(%dma_wait3A_396 : memref<50x64xf32, #tpu.memory_space<vmem>>)
      %dma_wait3A_403 = arith.constant 2 : i32
      %dma_wait3A_404 = arith.constant 0 : i32
      %dma_wait3A_405 = arith.constant 0 : i32
      %dma_wait3A_406 = tpu.memref_slice %arg7[%dma_wait3A_403, %dma_wait3A_404, %dma_wait3A_405] : memref<8x50x64xf32, #tpu.memory_space<vmem>> -> memref<1x50x64xf32, #tpu.memory_space<vmem>>
      %dma_wait3A_407 = tpu.memref_squeeze %dma_wait3A_406 : memref<1x50x64xf32, #tpu.memory_space<vmem>> -> memref<50x64xf32, #tpu.memory_space<vmem>>
      %dma_wait3A_408 = arith.constant 0 : i32
      %dma_wait3A_409 = tpu.memref_slice %arg5[%add3A_189, %dma_wait3A_408] : memref<128x50xi32, #tpu.memory_space<vmem>> -> memref<1x50xi32, #tpu.memory_space<vmem>>
      %dma_wait3A_410 = tpu.memref_squeeze %dma_wait3A_409 : memref<1x50xi32, #tpu.memory_space<vmem>> -> memref<50xi32, #tpu.memory_space<vmem>>
      %dma_wait3A_411 = arith.constant 0 : i32
      %dma_wait3A_412 = arith.constant 0 : i32
      %dma_wait3A_413 = tpu.memref_slice %arg2[%dma_wait3A_411, %dma_wait3A_412] : memref<100000x64xf32, #tpu.memory_space<hbm>> -> memref<100000x64xf32, #tpu.memory_space<hbm>>
      tpu.wait_indirect_dma semaphore(%arg8 : memref<!tpu.dma_semaphore, #tpu.memory_space<semaphore_mem>>) src(%dma_wait3A_413 : memref<100000x64xf32, #tpu.memory_space<hbm>>) dst(%dma_wait3A_407 : memref<50x64xf32, #tpu.memory_space<vmem>>)
      %dma_wait3A_414 = arith.constant 3 : i32
      %dma_wait3A_415 = arith.constant 0 : i32
      %dma_wait3A_416 = arith.constant 0 : i32
      %dma_wait3A_417 = tpu.memref_slice %arg7[%dma_wait3A_414, %dma_wait3A_415, %dma_wait3A_416] : memref<8x50x64xf32, #tpu.memory_space<vmem>> -> memref<1x50x64xf32, #tpu.memory_space<vmem>>
      %dma_wait3A_418 = tpu.memref_squeeze %dma_wait3A_417 : memref<1x50x64xf32, #tpu.memory_space<vmem>> -> memref<50x64xf32, #tpu.memory_space<vmem>>
      %dma_wait3A_419 = arith.constant 0 : i32
      %dma_wait3A_420 = tpu.memref_slice %arg5[%add3A_204, %dma_wait3A_419] : memref<128x50xi32, #tpu.memory_space<vmem>> -> memref<1x50xi32, #tpu.memory_space<vmem>>
      %dma_wait3A_421 = tpu.memref_squeeze %dma_wait3A_420 : memref<1x50xi32, #tpu.memory_space<vmem>> -> memref<50xi32, #tpu.memory_space<vmem>>
      %dma_wait3A_422 = arith.constant 0 : i32
      %dma_wait3A_423 = arith.constant 0 : i32
      %dma_wait3A_424 = tpu.memref_slice %arg2[%dma_wait3A_422, %dma_wait3A_423] : memref<100000x64xf32, #tpu.memory_space<hbm>> -> memref<100000x64xf32, #tpu.memory_space<hbm>>
      tpu.wait_indirect_dma semaphore(%arg8 : memref<!tpu.dma_semaphore, #tpu.memory_space<semaphore_mem>>) src(%dma_wait3A_424 : memref<100000x64xf32, #tpu.memory_space<hbm>>) dst(%dma_wait3A_418 : memref<50x64xf32, #tpu.memory_space<vmem>>)
      %dma_wait3A_425 = arith.constant 4 : i32
      %dma_wait3A_426 = arith.constant 0 : i32
      %dma_wait3A_427 = arith.constant 0 : i32
      %dma_wait3A_428 = tpu.memref_slice %arg7[%dma_wait3A_425, %dma_wait3A_426, %dma_wait3A_427] : memref<8x50x64xf32, #tpu.memory_space<vmem>> -> memref<1x50x64xf32, #tpu.memory_space<vmem>>
      %dma_wait3A_429 = tpu.memref_squeeze %dma_wait3A_428 : memref<1x50x64xf32, #tpu.memory_space<vmem>> -> memref<50x64xf32, #tpu.memory_space<vmem>>
      %dma_wait3A_430 = arith.constant 0 : i32
      %dma_wait3A_431 = tpu.memref_slice %arg5[%add3A_219, %dma_wait3A_430] : memref<128x50xi32, #tpu.memory_space<vmem>> -> memref<1x50xi32, #tpu.memory_space<vmem>>
      %dma_wait3A_432 = tpu.memref_squeeze %dma_wait3A_431 : memref<1x50xi32, #tpu.memory_space<vmem>> -> memref<50xi32, #tpu.memory_space<vmem>>
      %dma_wait3A_433 = arith.constant 0 : i32
      %dma_wait3A_434 = arith.constant 0 : i32
      %dma_wait3A_435 = tpu.memref_slice %arg2[%dma_wait3A_433, %dma_wait3A_434] : memref<100000x64xf32, #tpu.memory_space<hbm>> -> memref<100000x64xf32, #tpu.memory_space<hbm>>
      tpu.wait_indirect_dma semaphore(%arg8 : memref<!tpu.dma_semaphore, #tpu.memory_space<semaphore_mem>>) src(%dma_wait3A_435 : memref<100000x64xf32, #tpu.memory_space<hbm>>) dst(%dma_wait3A_429 : memref<50x64xf32, #tpu.memory_space<vmem>>)
      %dma_wait3A_436 = arith.constant 5 : i32
      %dma_wait3A_437 = arith.constant 0 : i32
      %dma_wait3A_438 = arith.constant 0 : i32
      %dma_wait3A_439 = tpu.memref_slice %arg7[%dma_wait3A_436, %dma_wait3A_437, %dma_wait3A_438] : memref<8x50x64xf32, #tpu.memory_space<vmem>> -> memref<1x50x64xf32, #tpu.memory_space<vmem>>
      %dma_wait3A_440 = tpu.memref_squeeze %dma_wait3A_439 : memref<1x50x64xf32, #tpu.memory_space<vmem>> -> memref<50x64xf32, #tpu.memory_space<vmem>>
      %dma_wait3A_441 = arith.constant 0 : i32
      %dma_wait3A_442 = tpu.memref_slice %arg5[%add3A_234, %dma_wait3A_441] : memref<128x50xi32, #tpu.memory_space<vmem>> -> memref<1x50xi32, #tpu.memory_space<vmem>>
      %dma_wait3A_443 = tpu.memref_squeeze %dma_wait3A_442 : memref<1x50xi32, #tpu.memory_space<vmem>> -> memref<50xi32, #tpu.memory_space<vmem>>
      %dma_wait3A_444 = arith.constant 0 : i32
      %dma_wait3A_445 = arith.constant 0 : i32
      %dma_wait3A_446 = tpu.memref_slice %arg2[%dma_wait3A_444, %dma_wait3A_445] : memref<100000x64xf32, #tpu.memory_space<hbm>> -> memref<100000x64xf32, #tpu.memory_space<hbm>>
      tpu.wait_indirect_dma semaphore(%arg8 : memref<!tpu.dma_semaphore, #tpu.memory_space<semaphore_mem>>) src(%dma_wait3A_446 : memref<100000x64xf32, #tpu.memory_space<hbm>>) dst(%dma_wait3A_440 : memref<50x64xf32, #tpu.memory_space<vmem>>)
      %dma_wait3A_447 = arith.constant 6 : i32
      %dma_wait3A_448 = arith.constant 0 : i32
      %dma_wait3A_449 = arith.constant 0 : i32
      %dma_wait3A_450 = tpu.memref_slice %arg7[%dma_wait3A_447, %dma_wait3A_448, %dma_wait3A_449] : memref<8x50x64xf32, #tpu.memory_space<vmem>> -> memref<1x50x64xf32, #tpu.memory_space<vmem>>
      %dma_wait3A_451 = tpu.memref_squeeze %dma_wait3A_450 : memref<1x50x64xf32, #tpu.memory_space<vmem>> -> memref<50x64xf32, #tpu.memory_space<vmem>>
      %dma_wait3A_452 = arith.constant 0 : i32
      %dma_wait3A_453 = tpu.memref_slice %arg5[%add3A_249, %dma_wait3A_452] : memref<128x50xi32, #tpu.memory_space<vmem>> -> memref<1x50xi32, #tpu.memory_space<vmem>>
      %dma_wait3A_454 = tpu.memref_squeeze %dma_wait3A_453 : memref<1x50xi32, #tpu.memory_space<vmem>> -> memref<50xi32, #tpu.memory_space<vmem>>
      %dma_wait3A_455 = arith.constant 0 : i32
      %dma_wait3A_456 = arith.constant 0 : i32
      %dma_wait3A_457 = tpu.memref_slice %arg2[%dma_wait3A_455, %dma_wait3A_456] : memref<100000x64xf32, #tpu.memory_space<hbm>> -> memref<100000x64xf32, #tpu.memory_space<hbm>>
      tpu.wait_indirect_dma semaphore(%arg8 : memref<!tpu.dma_semaphore, #tpu.memory_space<semaphore_mem>>) src(%dma_wait3A_457 : memref<100000x64xf32, #tpu.memory_space<hbm>>) dst(%dma_wait3A_451 : memref<50x64xf32, #tpu.memory_space<vmem>>)
      %dma_wait3A_458 = arith.constant 7 : i32
      %dma_wait3A_459 = arith.constant 0 : i32
      %dma_wait3A_460 = arith.constant 0 : i32
      %dma_wait3A_461 = tpu.memref_slice %arg7[%dma_wait3A_458, %dma_wait3A_459, %dma_wait3A_460] : memref<8x50x64xf32, #tpu.memory_space<vmem>> -> memref<1x50x64xf32, #tpu.memory_space<vmem>>
      %dma_wait3A_462 = tpu.memref_squeeze %dma_wait3A_461 : memref<1x50x64xf32, #tpu.memory_space<vmem>> -> memref<50x64xf32, #tpu.memory_space<vmem>>
      %dma_wait3A_463 = arith.constant 0 : i32
      %dma_wait3A_464 = tpu.memref_slice %arg5[%add3A_264, %dma_wait3A_463] : memref<128x50xi32, #tpu.memory_space<vmem>> -> memref<1x50xi32, #tpu.memory_space<vmem>>
      %dma_wait3A_465 = tpu.memref_squeeze %dma_wait3A_464 : memref<1x50xi32, #tpu.memory_space<vmem>> -> memref<50xi32, #tpu.memory_space<vmem>>
      %dma_wait3A_466 = arith.constant 0 : i32
      %dma_wait3A_467 = arith.constant 0 : i32
      %dma_wait3A_468 = tpu.memref_slice %arg2[%dma_wait3A_466, %dma_wait3A_467] : memref<100000x64xf32, #tpu.memory_space<hbm>> -> memref<100000x64xf32, #tpu.memory_space<hbm>>
      tpu.wait_indirect_dma semaphore(%arg8 : memref<!tpu.dma_semaphore, #tpu.memory_space<semaphore_mem>>) src(%dma_wait3A_468 : memref<100000x64xf32, #tpu.memory_space<hbm>>) dst(%dma_wait3A_462 : memref<50x64xf32, #tpu.memory_space<vmem>>)
      %mul3A_469 = arith.constant 8 : i32
      %mul3A_470 = arith.muli %add3A_380, %mul3A_469 : i32
      %add3A_471 = arith.addi %mul3A_2, %mul3A_470 : i32
      %dma_start3A_472 = arith.constant 0 : i32
      %dma_start3A_473 = arith.constant 0 : i32
      %dma_start3A_474 = tpu.memref_slice %arg4[%add3A_471, %dma_start3A_472, %dma_start3A_473] : memref<4096x50x64xf32, #tpu.memory_space<hbm>> -> memref<8x50x64xf32, #tpu.memory_space<hbm>>
      %dma_start3A_475 = arith.constant 0 : i32
      %dma_start3A_476 = arith.constant 0 : i32
      %dma_start3A_477 = tpu.memref_slice %arg4[%add3A_471, %dma_start3A_475, %dma_start3A_476] : memref<4096x50x64xf32, #tpu.memory_space<hbm>> -> memref<8x50x64xf32, #tpu.memory_space<hbm>>
      tpu.enqueue_dma source(%arg7 : memref<8x50x64xf32, #tpu.memory_space<vmem>>) target(%dma_start3A_477 : memref<8x50x64xf32, #tpu.memory_space<hbm>>) target_semaphore(%arg9 : memref<!tpu.dma_semaphore, #tpu.memory_space<semaphore_mem>>)
      %scan3A_478 = arith.constant 0 : i32
      scf.yield %scan3A_478 : i32
    }
    %scan3A_8 = arith.constant 8 : i32
    %dma_wait3A = arith.constant 0 : i32
    %dma_wait3A_9 = arith.constant 0 : i32
    %dma_wait3A_10 = tpu.memref_slice %arg4[%mul3A_2, %dma_wait3A, %dma_wait3A_9] : memref<4096x50x64xf32, #tpu.memory_space<hbm>> -> memref<8x50x64xf32, #tpu.memory_space<hbm>>
    %dma_wait3A_11 = arith.constant 0 : i32
    %dma_wait3A_12 = arith.constant 0 : i32
    %dma_wait3A_13 = tpu.memref_slice %arg4[%mul3A_2, %dma_wait3A_11, %dma_wait3A_12] : memref<4096x50x64xf32, #tpu.memory_space<hbm>> -> memref<8x50x64xf32, #tpu.memory_space<hbm>>
    tpu.wait_dma2 semaphore(%arg9 : memref<!tpu.dma_semaphore, #tpu.memory_space<semaphore_mem>>) src(%arg6 : memref<8x50x64xf32, #tpu.memory_space<vmem>>) dst(%dma_wait3A_13 : memref<8x50x64xf32, #tpu.memory_space<hbm>>)
    %dma_wait3A_14 = arith.constant 0 : i32
    %dma_wait3A_15 = arith.constant 0 : i32
    %dma_wait3A_16 = tpu.memref_slice %arg4[%mul3A_2, %dma_wait3A_14, %dma_wait3A_15] : memref<4096x50x64xf32, #tpu.memory_space<hbm>> -> memref<8x50x64xf32, #tpu.memory_space<hbm>>
    %dma_wait3A_17 = arith.constant 0 : i32
    %dma_wait3A_18 = arith.constant 0 : i32
    %dma_wait3A_19 = tpu.memref_slice %arg4[%mul3A_2, %dma_wait3A_17, %dma_wait3A_18] : memref<4096x50x64xf32, #tpu.memory_space<hbm>> -> memref<8x50x64xf32, #tpu.memory_space<hbm>>
    tpu.wait_dma2 semaphore(%arg9 : memref<!tpu.dma_semaphore, #tpu.memory_space<semaphore_mem>>) src(%arg6 : memref<8x50x64xf32, #tpu.memory_space<vmem>>) dst(%dma_wait3A_19 : memref<8x50x64xf32, #tpu.memory_space<hbm>>)
    return
  }
}

</mosaic_0001>

<sc_bundles>
// kernel: _sc_gather.3.cloned.1.call-start
scs
__scs_entry_jumppad:
0x0: {  	(pc) =	sbr.rel $0x88, $3  }
0x1: {  	(tag) =	ssettag $0x0;
	lr =	simm.s32 $0x1  }
0x2: {  	[smem:$0x3F9F] =	sst lr;
	_ =	strace $0xD0000000  }
0x3: {  	_ = 	snop  }
0x4: {  	_ = 	snop  }
0x5: {  	_ = 	snop  }
0x6: {  	_ = 	snop  }
0x7: {  	_ = 	snop  }
__scs_overlays_trampoline_lowered:
0x8: {  	[smem:$0x3FAE] =	sst s0  }
0x9: {  	[smem:$0x3FAF] =	sst s1  }
0xa: {  	[smem:$0x3FB0] =	sst s2  }
0xb: {  	[smem:$0x3FB1] =	sst s3  }
0xc: {  	[smem:$0x3FB2] =	sst s4  }
0xd: {  	[smem:$0x3FB3] =	sst s5  }
0xe: {  	[smem:$0x3FB4] =	sst s6  }
0xf: {  	[smem:$0x3FB5] =	sst s7  }
0x10: {  	[smem:$0x3FB6] =	sst s8  }
0x11: {  	[smem:$0x3FB7] =	sst s9;
	s0 =	simm.s32 @!p0 $0x0  }
0x12: {  	s1 =	sld [smem:$0x3F9D];
	s0 =	simm.s32 @p0 $0x1  }
0x13: {  	[smem:$0x3FB8] =	sst s0;
	s0 =	simm.s32 @!p1 $0x0  }
0x14: {  	s2 =	sld [smem:$0x3F9C];
	s0 =	simm.s32 @p1 $0x1  }
0x15: {  	[smem:$0x3FB9] =	sst s0;
	s0 =	simm.s32 @!p2 $0x0  }
0x16: {  	s3 =	sld [smem:$0x3FDB];
	s0 =	simm.s32 @p2 $0x1  }
0x17: {  	s4 =	simm.s32 $0x1BF5;
	[smem:$0x3FBB] =	sst s0  }
0x18: {  	s0 =	sld [smem:$0x3F9E];
	_ =	swait.ge [sflag:s4], $0x0  }
0x19: {  	s7 =	sld [smem:$0x3F9F]  }
0x1a: {  	s8 =	sadd.s32 $0xFFFFE003, lr  }
0x1b: {  	s9 =	sadd.s32 $0xFFFFFEF7, lr;
	s5 =	simm.s32 $0xFFFFFFFF;
	p2 =	slt.u32 s8, $0xFFFFF086  }
0x1c: {  	p1 =	slt.u32 s9, $0xF7A;
	s5 =	simm.s32 @!p2 $0x0  }
0x1d: {  	s5 =	simm.s32 @p1 $0x1;
	p0 =	seq.s32 s7, s2  }
0x1e: {  	s7 =	smul.u32 @!p0 $0xF7A, s2;
	p2 =	seq.s32 @!p0 s5, $0x0  }
0x1f: {  	s9 =	smul.u32 $0xF7A, s1;
	s8 =	simm.s32 @!p0 $0x1BF5;
	p2 =	por !p2, p0  }
0x20: {  	[sflag:s8] =	ssyncset.s32 @!p0 $0xFFFFF086;
	s6 =	sadd.s32 @!p0 s3, s7;
	s7 =	simm.s32 @!p0 $0x108  }
0x21: {  	s3 =	sadd.s32 s3, s9;
	s6 =	sadd.s32 @!p0 $0x88, s6;
	s7 =	simm.s32 @p2 $0x1082  }
0x22: {  	[simem:s7], [sflag:s8] =	dma.local @!p0 [hbm:s6], $0xF7A  }
0x23: {  	s9 =	sor.u32 $0xD0000000, s2;
	s6 =	simm.s32 $0x108;
	_ =	swait.ge @!p0 [sflag:s8], $0x0  }
0x24: {  	s3 =	sadd.s32 $0x88, s3;
	s6 =	simm.s32 @!p1 $0x1082;
	[sflag:s4] =	ssyncset.s32 $0xFFFFF086  }
0x25: {  	[simem:s6], [sflag:s4] =	dma.local [hbm:s3], $0xF7A  }
0x26: {  	[smem:$0x3F9F] =	sst s1;
	(tag) =	ssettag s2;
	_ =	strace s9  }
0x27: {  	s1 =	sld [smem:$0x3FAF]  }
0x28: {  	s2 =	sld [smem:$0x3FB0]  }
0x29: {  	s4 =	sld [smem:$0x3FB2]  }
0x2a: {  	p0 =	seq.s32 s5, $0x0;
	s5 =	sld [smem:$0x3FB3]  }
0x2b: {  	s6 =	sld [smem:$0x3FB4]  }
0x2c: {  	s7 =	sld [smem:$0x3FB5]  }
0x2d: {  	s3 =	simm.s32 $0x108;
	s8 =	sld [smem:$0x3FB6]  }
0x2e: {  	s3 =	simm.s32 @!p0 $0x1082;
	s9 =	sld [smem:$0x3FB7]  }
0x2f: {  	lr =	sadd.s32 s0, s3;
	s0 =	sld [smem:$0x3FAE]  }
0x30: {  	s3 =	sld [smem:$0x3FB1]  }
0x31: {  	[smem:$0x3FBA] =	sst s10  }
0x32: {  	s10 =	sld [smem:$0x3FB8];
	_ =	sdelay $0x3  }
0x33: {  	p0 =	seq.s32 s10, $0x1;
	s10 =	sld [smem:$0x3FBA];
	_ =	sdelay $0x3  }
0x34: {  	[smem:$0x3FBA] =	sst s10  }
0x35: {  	s10 =	sld [smem:$0x3FB9];
	_ =	sdelay $0x3  }
0x36: {  	p1 =	seq.s32 s10, $0x1;
	s10 =	sld [smem:$0x3FBA];
	_ =	sdelay $0x3  }
0x37: {  	[smem:$0x3FBA] =	sst s10  }
0x38: {  	s10 =	sld [smem:$0x3FBB]  }
0x39: {  	_ = 	snop;
	(pc) =	sbr.ind lr, $3  }
0x3a: {  	_ = 	snop  }
0x3b: {  	_ = 	snop  }
0x3c: {  	p2 =	seq.s32 s10, $0x1;
	s10 =	sld [smem:$0x3FBA]  }
0x3d: {  	_ =	shalt  }
0x3e: {  	_ =	shalt  }
0x3f: {  	_ =	shalt  }
0x40: {  	_ =	shalt  }
0x41: {  	_ =	shalt  }
0x42: {  	_ =	shalt  }
0x43: {  	_ =	shalt  }
0x44: {  	_ =	shalt  }
0x45: {  	_ =	shalt  }
0x46: {  	_ =	shalt  }
0x47: {  	_ =	shalt  }
0x48: {  	_ =	shalt  }
0x49: {  	_ =	shalt  }
0x4a: {  	_ =	shalt  }
0x4b: {  	_ =	shalt  }
0x4c: {  	_ =	shalt  }
0x4d: {  	_ =	shalt  }
0x4e: {  	_ =	shalt  }
0x4f: {  	_ =	shalt  }
0x50: {  	_ =	shalt  }
0x51: {  	_ =	shalt  }
0x52: {  	_ =	shalt  }
0x53: {  	_ =	shalt  }
0x54: {  	_ =	shalt  }
0x55: {  	_ =	shalt  }
0x56: {  	_ =	shalt  }
0x57: {  	_ =	shalt  }
0x58: {  	_ =	shalt  }
0x59: {  	_ =	shalt  }
0x5a: {  	_ =	shalt  }
0x5b: {  	_ =	shalt  }
0x5c: {  	_ =	shalt  }
0x5d: {  	_ =	shalt  }
0x5e: {  	_ =	shalt  }
0x5f: {  	_ =	shalt  }
0x60: {  	_ =	shalt  }
0x61: {  	_ =	shalt  }
0x62: {  	_ =	shalt  }
0x63: {  	_ =	shalt  }
0x64: {  	_ =	shalt  }
0x65: {  	_ =	shalt  }
0x66: {  	_ =	shalt  }
0x67: {  	_ =	shalt  }
0x68: {  	_ =	shalt  }
0x69: {  	_ =	shalt  }
0x6a: {  	_ =	shalt  }
0x6b: {  	_ =	shalt  }
0x6c: {  	_ =	shalt  }
0x6d: {  	_ =	shalt  }
0x6e: {  	_ =	shalt  }
0x6f: {  	_ =	shalt  }
0x70: {  	_ =	shalt  }
0x71: {  	_ =	shalt  }
0x72: {  	_ =	shalt  }
0x73: {  	_ =	shalt  }
0x74: {  	_ =	shalt  }
0x75: {  	_ =	shalt  }
0x76: {  	_ =	shalt  }
0x77: {  	_ =	shalt  }
0x78: {  	_ =	shalt  }
0x79: {  	_ =	shalt  }
0x7a: {  	_ =	shalt  }
0x7b: {  	_ =	shalt  }
0x7c: {  	_ =	shalt  }
0x7d: {  	_ =	shalt  }
0x7e: {  	_ =	shalt  }
0x7f: {  	_ =	shalt  }
0x80: {  	_ =	shalt  }
0x81: {  	_ =	shalt  }
0x82: {  	_ =	shalt  }
0x83: {  	_ =	shalt  }
0x84: {  	_ =	shalt  }
0x85: {  	_ =	shalt  }
0x86: {  	_ =	shalt  }
0x87: {  	_ =	shalt  }
.Lfunc_end0:
.L_simem_size_0:
called_computation.1_lowered:
.L_overlay_start_0:
0x88: {  	s2 =	sld [smem:$0x3FD9]  }
0x89: {  	s3 =	sld [smem:$0x3FFE];
	_ =	sdelay $0x1  }
0x8a: {  	s1 =	srdreg.scid  }
0x8b: {  	s0 =	sand.u32 $0x1, s1  }
0x8c: {  	s17 =	sshll.u32 s0, $0xA;
	s2 =	sadd.s32 s3, s2  }
0x8d: {  	s2 =	sadd.s32 s2, s17  }
0x8e: {  	[smem:$0x3FC6] =	sst s2  }
0x8f: {  	_ = 	snop  }
0x90: {  	s2 =	sld [smem:$0x3FD0];
	(tm) =	ssettm $0x1  }
0x91: {  	s18 =	sld [smem:$0x3FFB];
	_ =	sdelay $0x3  }
0x92: {  	_ =	strace s18  }
0x93: {  	s3 =	sld [smem:$0x3FFC];
	_ =	sdelay $0x3  }
0x94: {  	_ =	strace s3  }
0x95: {  	s3 =	sld [smem:$0x3FFD];
	_ =	sdelay $0x3  }
0x96: {  	_ =	strace s3  }
0x97: {  	_ =	strace $0x8FFFFFFF  }
0x98: {  	s19 =	sld [smem:$0x3FDB];
	_ =	sdelay $0x1  }
0x99: {  	s4 =	simm.s32 $_scs_section_size  }
0x9a: {  	s5 =	simm.s32 $_size__tile_overlayer_lowered;
	s6 =	simm.s32 $_tile_overlayer_lowered  }
0x9b: {  	s22 =	simm.s32 $0x1BFF;
	s21 =	sshll.u32 s6, $0x1;
	s3 =	sadd.s32 s4, s19  }
0x9c: {  	s7 =	simm.s32 $0x0;
	s20 =	sshll.u32 s5, $0x1;
	s5 =	sadd.s32 s21, s3  }
0x9d: {  	[timem:s7], [sflag:s22] =	dma.local [hbm:s5], s20  }
0x9e: {  	_ =	swait.ge [sflag:s22], s20  }
0x9f: {  	s4 =	ssub.s32 $0x0, s20;
	[sflag:s22] =	ssyncset.done $0x0  }
0xa0: {  	[sflag:s22] =	ssyncadd.s32 s4;
	_ =	sdelay $0x1  }
0xa1: {  	s23 =	simm.s32 $0x1B8B  }
0xa2: {  	_ =	swait.ge [sflag:s23], $0x1  }
0xa3: {  	[sflag:s23] =	ssyncset.done $0x0  }
0xa4: {  	s25 =	simm.s32 $0x1B8E;
	s24 =	sld [smem:$0x3FFE];
	[sflag:s23] =	ssyncadd.s32 $0xFFFFFFFF  }
0xa5: {  	s26 =	simm.s32 $execute0_lowered;
	[smem:$0x3FD2] =	sst s25  }
0xa6: {  	s5 =	sshll.u32 s26, $0x1;
	_ =	strace $0x80000046;
	[dreg:$0x1] =	wrdreg $0xFFFFFFFF  }
0xa7: {  	s28 =	simm.s32 $_size_execute0_lowered;
	s3 =	sadd.s32 s3, s5;
	[dreg:$0x0] =	wrdreg $0x0  }
0xa8: {  	s5 =	sshll.u32 s28, $0x1;
	[dreg:$0x2] =	wrdreg s3  }
0xa9: {  	[dreg:$0x3] =	wrdreg s5  }
0xaa: {  	[dreg:$0x4] =	wrdreg $0xC0  }
0xab: {  	_ =	task [dreg:s7], $0x5FFFF  }
0xac: {  	[dreg:$0x1] =	wrdreg $0xFFFFFFFF  }
0xad: {  	[dreg:$0x0] =	wrdreg $0x60  }
0xae: {  	[dreg:$0x2] =	wrdreg s24  }
0xaf: {  	[dreg:$0x3] =	wrdreg s2  }
0xb0: {  	[dreg:$0x4] =	wrdreg $0x9  }
0xb1: {  	_ =	task.clear_ibuf [dreg:s7], $0x5FFFF;
	_ =	strace $0x90000046  }
0xb2: {  	s29 =	simm.s32 $0x9;
	_ =	strace $0x80000048  }
0xb3: {  	_ =	swait.ge [sflag:s29], $0x1  }
0xb4: {  	[sflag:s29] =	ssyncadd.s32 $0xFFFFFFFF  }
0xb5: {  	_ =	strace $0x90000048  }
0xb6: {  	_ =	sfence  }
0xb7: {  	s30 =	sld [smem:$0x0];
	_ =	sdelay $0x2  }
0xb8: {  	s31 =	sshll.u32 s1, $0xD;
	s1 =	sshrl.u32 s1, $0x2  }
0xb9: {  	s3 =	sand.u32 $0x4000, s31;
	s1 =	sadd.s32 s1, s30  }
0xba: {  	s0 =	sor.u32 s3, s0;
	s1 =	sshll.u32 s1, $0x11  }
0xbb: {  	s0 =	sor.u32 s1, s0  }
0xbc: {  	s0 =	sadd.s32 $0x8F2B, s0  }
0xbd: {  	[sflag:s0] =	ssyncadd.remote.s32 $0x1  }
0xbe: {  	_ =	sfence.sel $0xFFFF  }
0xbf: {  	[dreg:$0x0] =	wrdreg $0xFFFFFFFF;
	(pc) =	sbr.abs _section_cstart, $3  }
0xc0: {  	[dreg:$0x1] =	wrdreg $0xFFFFFFFF  }
0xc1: {  	_ =	task.clear_ibuf [dreg:s7], $0x2FFFF;
	_ =	strace $0x9FFFFFFF  }
0xc2: {  	(tm) =	ssettm $0x7FFFFFFF  }
0xc3: {  	_ =	shalt  }
tec
execute0_lowered:
.L_overlay_start_1:
0x0: {  	(tag) =	ssettag $0x1  }
0x1: {  	s1 =	srdreg.scid;
	s4 =	rddreg [dreg:$0x0]  }
0x2: {  	s0 =	stileid.u32;
	s7 =	rddreg [dreg:$0x1];
	s2 =	simm.s32 $0x0  }
0x3: {  	s24 =	simm.s32 $0x2880;
	s25 =	simm.s32 $0x3500;
	s26 =	simm.s32 $0x4180  }
0x4: {  	s28 =	simm.s32 $0x4E00;
	s29 =	simm.s32 $0x5A80;
	s30 =	simm.s32 $0x6700  }
0x5: {  	s31 =	simm.s32 $0x7380;
	s6 =	sand.u32 $0x1, s1;
	s1 =	rddreg [dreg:$0x2]  }
0x6: {  	s11 =	simm.s32 $0x8C80;
	s10 =	simm.s32 $0x8000;
	[smem:$0x7FF] =	sst s2  }
0x7: {  	s12 =	simm.s32 $0xA580;
	_ =	strace $0x80000047;
	[dreg:$0x3] =	wrdreg s24  }
0x8: {  	s13 =	simm.s32 $0xB200;
	s14 =	simm.s32 $0xBE80;
	[dreg:$0x4] =	wrdreg s25  }
0x9: {  	s15 =	simm.s32 $0xCB00;
	s16 =	simm.s32 $0xD780;
	[dreg:$0x5] =	wrdreg s26  }
0xa: {  	s17 =	simm.s32 $0x1;
	s18 =	simm.s32 $0x2;
	[dreg:$0x6] =	wrdreg s28  }
0xb: {  	s19 =	simm.s32 $0x0;
	s3 =	sshll.u32 s0, $0x8;
	[dreg:$0x7] =	wrdreg s29  }
0xc: {  	s9 =	smul.u32 $0x19000, s0;
	s5 =	sshll.u32 s6, $0x7;
	[dreg:$0x8] =	wrdreg s30  }
0xd: {  	s8 =	ssub.s32 $0x2, s6;
	s6 =	smul.u32 $0xC800, s6;
	[dreg:$0x9] =	wrdreg s31  }
0xe: {  	[dreg:$0xa] =	wrdreg s11;
	s11 =	simm.s32 $0x9900;
	s3 =	sor.u32 s5, s3  }
0xf: {  	s23 =	sshrl.u32 s8, $0x1;
	s7 =	sadd.s32 s9, s7;
	s5 =	smul.u32 $0x7, s3  }
0x10: {  	s9 =	simm.s32 $0x1C00;
	s3 =	sadd.s32 $0x7800, s4;
	s6 =	sadd.s32 s6, s7  }
0x11: {  	s7 =	simm.s32 $0x3;
	s4 =	sadd.s32 s5, s4;
	s5 =	ssub.s32 s8, s23  }
0x12: {  	s8 =	simm.s32 $0x32;
	s4 =	sadd.s32 $0x800, s4;
	s5 =	smax.u32 s5, $0x1  }
.LBB2_1:
0x13: {  	[tilespmem:s2], [sflag:$0x3] =	stream.linear.gather [hbm4b:s4+s2], $0x1C00, $0x38;
	[tilespmem:$0xE400] =	vst v63  }
0x14: {  	_ =	swait.ge [sflag:s7], $0x1C00  }
0x15: {  	p0 =	por $0x1, $0x1;
	[sflag:s7] =	ssyncset.done $0x0  }
0x16: {  	s20 =	simm.s32 @!p0 $0x2;
	[sflag:s7] =	ssyncadd.s32 $0xFFFFE400  }
0x17: {  	_ =	swait.ge @!p0 [sflag:s20], $0x6400  }
0x18: {  	[sflag:s20] =	ssyncset.done @!p0 $0x0  }
0x19: {  	s21 =	simm.s32 $0x0;
	[sflag:s20] =	ssyncadd.s32 @!p0 $0xFFFF9C00  }
0x1a: {  	[tilespmem:s9], [sflag:$0x1] =	stream.indirect.gather [hbm4b:s3+s8], $0x40, s21, s8, $0xb8;
	[tilespmem:$0xE400] =	vst v63  }
0x1b: {  	s26 =	simm.s32 $0x38;
	s22 =	rddreg [dreg:$0x3]  }
0x1c: {  	[tilespmem:s22], [sflag:$0x1] =	stream.indirect.gather [hbm4b:s3+s8], $0x40, s26, s8, $0xb8;
	[tilespmem:$0xE400] =	vst v63  }
0x1d: {  	s28 =	simm.s32 $0x70;
	s23 =	rddreg [dreg:$0x4]  }
0x1e: {  	[tilespmem:s23], [sflag:$0x1] =	stream.indirect.gather [hbm4b:s3+s8], $0x40, s28, s8, $0xb8;
	[tilespmem:$0xE400] =	vst v63  }
0x1f: {  	s30 =	simm.s32 $0xA8;
	s29 =	rddreg [dreg:$0x5]  }
0x20: {  	[tilespmem:s29], [sflag:$0x1] =	stream.indirect.gather [hbm4b:s3+s8], $0x40, s30, s8, $0xb8;
	[tilespmem:$0xE400] =	vst v63  }
0x21: {  	s24 =	simm.s32 $0xE0;
	s31 =	rddreg [dreg:$0x6]  }
0x22: {  	[tilespmem:s31], [sflag:$0x1] =	stream.indirect.gather [hbm4b:s3+s8], $0x40, s24, s8, $0xb8;
	[tilespmem:$0xE400] =	vst v63  }
0x23: {  	s25 =	rddreg [dreg:$0x7];
	s26 =	simm.s32 $0x118  }
0x24: {  	[tilespmem:s25], [sflag:$0x1] =	stream.indirect.gather [hbm4b:s3+s8], $0x40, s26, s8, $0xb8;
	[tilespmem:$0xE400] =	vst v63  }
0x25: {  	s28 =	rddreg [dreg:$0x8];
	s29 =	simm.s32 $0x150  }
0x26: {  	[tilespmem:s28], [sflag:$0x1] =	stream.indirect.gather [hbm4b:s3+s8], $0x40, s29, s8, $0xb8;
	[tilespmem:$0xE400] =	vst v63  }
0x27: {  	s30 =	rddreg [dreg:$0x9];
	s31 =	simm.s32 $0x188  }
0x28: {  	[tilespmem:s30], [sflag:$0x1] =	stream.indirect.gather [hbm4b:s3+s8], $0x40, s31, s8, $0xb8;
	[tilespmem:$0xE400] =	vst v63  }
0x29: {  	_ =	swait.ge @!p0 [sflag:s20], $0x6400  }
0x2a: {  	[sflag:s20] =	ssyncset.done @!p0 $0x0  }
0x2b: {  	s22 =	simm.s32 $0x1C0;
	[sflag:s20] =	ssyncadd.s32 @!p0 $0xFFFF9C00  }
0x2c: {  	[tilespmem:s10], [sflag:$0x1] =	stream.indirect.gather [hbm4b:s3+s8], $0x40, s22, s8, $0xb8;
	[tilespmem:$0xE400] =	vst v63  }
0x2d: {  	s24 =	simm.s32 $0x1F8;
	s23 =	rddreg [dreg:$0xa]  }
0x2e: {  	[tilespmem:s23], [sflag:$0x1] =	stream.indirect.gather [hbm4b:s3+s8], $0x40, s24, s8, $0xb8;
	[tilespmem:$0xE400] =	vst v63  }
0x2f: {  	s25 =	simm.s32 $0x230  }
0x30: {  	[tilespmem:s11], [sflag:$0x1] =	stream.indirect.gather [hbm4b:s3+s8], $0x40, s25, s8, $0xb8;
	[tilespmem:$0xE400] =	vst v63  }
0x31: {  	s26 =	simm.s32 $0x268  }
0x32: {  	[tilespmem:s12], [sflag:$0x1] =	stream.indirect.gather [hbm4b:s3+s8], $0x40, s26, s8, $0xb8;
	[tilespmem:$0xE400] =	vst v63  }
0x33: {  	s28 =	simm.s32 $0x2A0  }
0x34: {  	[tilespmem:s13], [sflag:$0x1] =	stream.indirect.gather [hbm4b:s3+s8], $0x40, s28, s8, $0xb8;
	[tilespmem:$0xE400] =	vst v63  }
0x35: {  	s29 =	simm.s32 $0x2D8  }
0x36: {  	[tilespmem:s14], [sflag:$0x1] =	stream.indirect.gather [hbm4b:s3+s8], $0x40, s29, s8, $0xb8;
	[tilespmem:$0xE400] =	vst v63  }
0x37: {  	s30 =	simm.s32 $0x310  }
0x38: {  	[tilespmem:s15], [sflag:$0x1] =	stream.indirect.gather [hbm4b:s3+s8], $0x40, s30, s8, $0xb8;
	[tilespmem:$0xE400] =	vst v63  }
0x39: {  	s31 =	simm.s32 $0x348  }
0x3a: {  	[tilespmem:s16], [sflag:$0x1] =	stream.indirect.gather [hbm4b:s3+s8], $0x40, s31, s8, $0xb8;
	[tilespmem:$0xE400] =	vst v63  }
0x3b: {  	_ =	swait.ge [sflag:s17], $0xC80  }
0x3c: {  	[sflag:s17] =	ssyncset.done $0x0  }
0x3d: {  	[sflag:s17] =	ssyncadd.s32 $0xFFFFF380  }
0x3e: {  	_ =	swait.ge [sflag:s17], $0xC80  }
0x3f: {  	[sflag:s17] =	ssyncset.done $0x0  }
0x40: {  	[sflag:s17] =	ssyncadd.s32 $0xFFFFF380  }
0x41: {  	_ =	swait.ge [sflag:s17], $0xC80  }
0x42: {  	[sflag:s17] =	ssyncset.done $0x0  }
0x43: {  	[sflag:s17] =	ssyncadd.s32 $0xFFFFF380  }
0x44: {  	_ =	swait.ge [sflag:s17], $0xC80  }
0x45: {  	[sflag:s17] =	ssyncset.done $0x0  }
0x46: {  	[sflag:s17] =	ssyncadd.s32 $0xFFFFF380  }
0x47: {  	_ =	swait.ge [sflag:s17], $0xC80  }
0x48: {  	[sflag:s17] =	ssyncset.done $0x0  }
0x49: {  	[sflag:s17] =	ssyncadd.s32 $0xFFFFF380  }
0x4a: {  	_ =	swait.ge [sflag:s17], $0xC80  }
0x4b: {  	[sflag:s17] =	ssyncset.done $0x0  }
0x4c: {  	[sflag:s17] =	ssyncadd.s32 $0xFFFFF380  }
0x4d: {  	_ =	swait.ge [sflag:s17], $0xC80  }
0x4e: {  	[sflag:s17] =	ssyncset.done $0x0  }
0x4f: {  	[sflag:s17] =	ssyncadd.s32 $0xFFFFF380  }
0x50: {  	_ =	swait.ge [sflag:s17], $0xC80  }
0x51: {  	[sflag:s17] =	ssyncset.done $0x0  }
0x52: {  	[sflag:s17] =	ssyncadd.s32 $0xFFFFF380  }
0x53: {  	[hbm4b:s6+s2] =	stream.linear.scatter [tilespmem:s9], [sflag:$0x2], $0x6400, $0x38;
	[tilespmem:$0xE400] =	vst v63  }
0x54: {  	_ =	swait.ge [sflag:s17], $0xC80  }
0x55: {  	[sflag:s17] =	ssyncset.done $0x0  }
0x56: {  	[sflag:s17] =	ssyncadd.s32 $0xFFFFF380  }
0x57: {  	_ =	swait.ge [sflag:s17], $0xC80  }
0x58: {  	[sflag:s17] =	ssyncset.done $0x0  }
0x59: {  	[sflag:s17] =	ssyncadd.s32 $0xFFFFF380  }
0x5a: {  	_ =	swait.ge [sflag:s17], $0xC80  }
0x5b: {  	[sflag:s17] =	ssyncset.done $0x0  }
0x5c: {  	[sflag:s17] =	ssyncadd.s32 $0xFFFFF380  }
0x5d: {  	_ =	swait.ge [sflag:s17], $0xC80  }
0x5e: {  	[sflag:s17] =	ssyncset.done $0x0  }
0x5f: {  	[sflag:s17] =	ssyncadd.s32 $0xFFFFF380  }
0x60: {  	_ =	swait.ge [sflag:s17], $0xC80  }
0x61: {  	[sflag:s17] =	ssyncset.done $0x0  }
0x62: {  	[sflag:s17] =	ssyncadd.s32 $0xFFFFF380  }
0x63: {  	_ =	swait.ge [sflag:s17], $0xC80  }
0x64: {  	[sflag:s17] =	ssyncset.done $0x0  }
0x65: {  	[sflag:s17] =	ssyncadd.s32 $0xFFFFF380  }
0x66: {  	_ =	swait.ge [sflag:s17], $0xC80  }
0x67: {  	[sflag:s17] =	ssyncset.done $0x0  }
0x68: {  	p1 =	por $0x0, $0x0;
	[sflag:s17] =	ssyncadd.s32 $0xFFFFF380  }
0x69: {  	s21 =	simm.s32 $0xE00;
	s20 =	sadd.s32 $0x1900, s6;
	_ =	swait.ge [sflag:s17], $0xC80  }
0x6a: {  	s22 =	simm.s32 $0x1C00;
	s24 =	sadd.s32 $0xC80, s6;
	[sflag:s17] =	ssyncset.done $0x0  }
.LBB2_2:
0x6b: {  	s25 =	simm.s32 @!p1 $0x2;
	[sflag:s17] =	ssyncadd.s32 $0xFFFFF380  }
0x6c: {  	[hbm4b:s24+s2] =	stream.linear.scatter [tilespmem:s10], [sflag:$0x2], $0x6400, $0x38;
	[tilespmem:$0xE400] =	vst v63  }
0x6d: {  	_ =	swait.ge @!p1 [sflag:s25], $0x6400  }
0x6e: {  	[sflag:s25] =	ssyncset.done @!p1 $0x0  }
0x6f: {  	s24 =	sshra.s32 s21, $0x2;
	[sflag:s25] =	ssyncadd.s32 @!p1 $0xFFFF9C00  }
0x70: {  	[tilespmem:s9], [sflag:$0x1] =	stream.indirect.gather [hbm4b:s3+s8], $0x40, s24, s8, $0xb8;
	[tilespmem:$0xE400] =	vst v63  }
0x71: {  	s29 =	sadd.s32 $0x38, s24;
	s28 =	rddreg [dreg:$0x3]  }
0x72: {  	[tilespmem:s28], [sflag:$0x1] =	stream.indirect.gather [hbm4b:s3+s8], $0x40, s29, s8, $0xb8;
	[tilespmem:$0xE400] =	vst v63  }
0x73: {  	s30 =	rddreg [dreg:$0x4];
	s29 =	sadd.s32 $0x70, s24  }
0x74: {  	[tilespmem:s30], [sflag:$0x1] =	stream.indirect.gather [hbm4b:s3+s8], $0x40, s29, s8, $0xb8;
	[tilespmem:$0xE400] =	vst v63  }
0x75: {  	s31 =	sadd.s32 $0xA8, s24;
	s28 =	rddreg [dreg:$0x5]  }
0x76: {  	[tilespmem:s28], [sflag:$0x1] =	stream.indirect.gather [hbm4b:s3+s8], $0x40, s31, s8, $0xb8;
	[tilespmem:$0xE400] =	vst v63  }
0x77: {  	s29 =	rddreg [dreg:$0x6];
	s30 =	sadd.s32 $0xE0, s24  }
0x78: {  	[tilespmem:s29], [sflag:$0x1] =	stream.indirect.gather [hbm4b:s3+s8], $0x40, s30, s8, $0xb8;
	[tilespmem:$0xE400] =	vst v63  }
0x79: {  	s31 =	rddreg [dreg:$0x7];
	s30 =	sadd.s32 $0x118, s24  }
0x7a: {  	[tilespmem:s31], [sflag:$0x1] =	stream.indirect.gather [hbm4b:s3+s8], $0x40, s30, s8, $0xb8;
	[tilespmem:$0xE400] =	vst v63  }
0x7b: {  	s29 =	rddreg [dreg:$0x8];
	s31 =	sadd.s32 $0x150, s24  }
0x7c: {  	[tilespmem:s29], [sflag:$0x1] =	stream.indirect.gather [hbm4b:s3+s8], $0x40, s31, s8, $0xb8;
	[tilespmem:$0xE400] =	vst v63  }
0x7d: {  	s30 =	rddreg [dreg:$0x9];
	s31 =	sadd.s32 $0x188, s24  }
0x7e: {  	[tilespmem:s30], [sflag:$0x1] =	stream.indirect.gather [hbm4b:s3+s8], $0x40, s31, s8, $0xb8;
	[tilespmem:$0xE400] =	vst v63  }
0x7f: {  	_ =	swait.ge @!p1 [sflag:s25], $0x6400  }
0x80: {  	[sflag:s25] =	ssyncset.done @!p1 $0x0  }
0x81: {  	s29 =	sadd.s32 $0x1C0, s24;
	[sflag:s25] =	ssyncadd.s32 @!p1 $0xFFFF9C00  }
0x82: {  	[tilespmem:s10], [sflag:$0x1] =	stream.indirect.gather [hbm4b:s3+s8], $0x40, s29, s8, $0xb8;
	[tilespmem:$0xE400] =	vst v63  }
0x83: {  	s26 =	smov.u32 s22;
	s31 =	sadd.s32 $0x1F8, s24;
	s30 =	rddreg [dreg:$0xa]  }
0x84: {  	[tilespmem:s30], [sflag:$0x1] =	stream.indirect.gather [hbm4b:s3+s8], $0x40, s31, s8, $0xb8;
	[tilespmem:$0xE400] =	vst v63  }
0x85: {  	s21 =	smov.u32 s26;
	s26 =	sadd.s32 $0x230, s24  }
0x86: {  	[tilespmem:s11], [sflag:$0x1] =	stream.indirect.gather [hbm4b:s3+s8], $0x40, s26, s8, $0xb8;
	[tilespmem:$0xE400] =	vst v63  }
0x87: {  	s28 =	sadd.s32 $0x268, s24  }
0x88: {  	[tilespmem:s12], [sflag:$0x1] =	stream.indirect.gather [hbm4b:s3+s8], $0x40, s28, s8, $0xb8;
	[tilespmem:$0xE400] =	vst v63  }
0x89: {  	s29 =	sadd.s32 $0x2A0, s24  }
0x8a: {  	[tilespmem:s13], [sflag:$0x1] =	stream.indirect.gather [hbm4b:s3+s8], $0x40, s29, s8, $0xb8;
	[tilespmem:$0xE400] =	vst v63  }
0x8b: {  	s30 =	sadd.s32 $0x2D8, s24  }
0x8c: {  	[tilespmem:s14], [sflag:$0x1] =	stream.indirect.gather [hbm4b:s3+s8], $0x40, s30, s8, $0xb8;
	[tilespmem:$0xE400] =	vst v63  }
0x8d: {  	s31 =	sadd.s32 $0x310, s24  }
0x8e: {  	[tilespmem:s15], [sflag:$0x1] =	stream.indirect.gather [hbm4b:s3+s8], $0x40, s31, s8, $0xb8;
	[tilespmem:$0xE400] =	vst v63  }
0x8f: {  	s24 =	sadd.s32 $0x348, s24  }
0x90: {  	[tilespmem:s16], [sflag:$0x1] =	stream.indirect.gather [hbm4b:s3+s8], $0x40, s24, s8, $0xb8;
	[tilespmem:$0xE400] =	vst v63  }
0x91: {  	_ =	swait.ge [sflag:s17], $0xC80  }
0x92: {  	[sflag:s17] =	ssyncset.done $0x0  }
0x93: {  	[sflag:s17] =	ssyncadd.s32 $0xFFFFF380  }
0x94: {  	_ =	swait.ge [sflag:s17], $0xC80  }
0x95: {  	[sflag:s17] =	ssyncset.done $0x0  }
0x96: {  	[sflag:s17] =	ssyncadd.s32 $0xFFFFF380  }
0x97: {  	_ =	swait.ge [sflag:s17], $0xC80  }
0x98: {  	[sflag:s17] =	ssyncset.done $0x0  }
0x99: {  	[sflag:s17] =	ssyncadd.s32 $0xFFFFF380  }
0x9a: {  	_ =	swait.ge [sflag:s17], $0xC80  }
0x9b: {  	[sflag:s17] =	ssyncset.done $0x0  }
0x9c: {  	[sflag:s17] =	ssyncadd.s32 $0xFFFFF380  }
0x9d: {  	_ =	swait.ge [sflag:s17], $0xC80  }
0x9e: {  	[sflag:s17] =	ssyncset.done $0x0  }
0x9f: {  	[sflag:s17] =	ssyncadd.s32 $0xFFFFF380  }
0xa0: {  	_ =	swait.ge [sflag:s17], $0xC80  }
0xa1: {  	[sflag:s17] =	ssyncset.done $0x0  }
0xa2: {  	[sflag:s17] =	ssyncadd.s32 $0xFFFFF380  }
0xa3: {  	_ =	swait.ge [sflag:s17], $0xC80  }
0xa4: {  	[sflag:s17] =	ssyncset.done $0x0  }
0xa5: {  	[sflag:s17] =	ssyncadd.s32 $0xFFFFF380  }
0xa6: {  	_ =	swait.ge [sflag:s17], $0xC80  }
0xa7: {  	[sflag:s17] =	ssyncset.done $0x0  }
0xa8: {  	[sflag:s17] =	ssyncadd.s32 $0xFFFFF380  }
0xa9: {  	[hbm4b:s20+s2] =	stream.linear.scatter [tilespmem:s9], [sflag:$0x2], $0x6400, $0x38;
	[tilespmem:$0xE400] =	vst v63  }
0xaa: {  	_ =	swait.ge [sflag:s17], $0xC80  }
0xab: {  	[sflag:s17] =	ssyncset.done $0x0  }
0xac: {  	[sflag:s17] =	ssyncadd.s32 $0xFFFFF380  }
0xad: {  	_ =	swait.ge [sflag:s17], $0xC80  }
0xae: {  	[sflag:s17] =	ssyncset.done $0x0  }
0xaf: {  	[sflag:s17] =	ssyncadd.s32 $0xFFFFF380  }
0xb0: {  	_ =	swait.ge [sflag:s17], $0xC80  }
0xb1: {  	[sflag:s17] =	ssyncset.done $0x0  }
0xb2: {  	[sflag:s17] =	ssyncadd.s32 $0xFFFFF380  }
0xb3: {  	_ =	swait.ge [sflag:s17], $0xC80  }
0xb4: {  	[sflag:s17] =	ssyncset.done $0x0  }
0xb5: {  	[sflag:s17] =	ssyncadd.s32 $0xFFFFF380  }
0xb6: {  	_ =	swait.ge [sflag:s17], $0xC80  }
0xb7: {  	[sflag:s17] =	ssyncset.done $0x0  }
0xb8: {  	[sflag:s17] =	ssyncadd.s32 $0xFFFFF380  }
0xb9: {  	_ =	swait.ge [sflag:s17], $0xC80  }
0xba: {  	s22 =	sadd.s32 $0xE00, s22;
	[sflag:s17] =	ssyncset.done $0x0  }
0xbb: {  	p0 =	sne.s32 s22, $0x7000;
	[sflag:s17] =	ssyncadd.s32 $0xFFFFF380  }
.Ltmp0:
0xbc: {  	_ =	swait.ge [sflag:s17], $0xC80;
	(pc) =	sbr.rel @p0 .LBB2_2-.Ltmp0, $4  }
0xbd: {  	[sflag:s17] =	ssyncset.done $0x0  }
0xbe: {  	[sflag:s17] =	ssyncadd.s32 $0xFFFFF380  }
0xbf: {  	s23 =	smov.u32 s20;
	p1 =	seq.s32 s21, $0x0;
	_ =	swait.ge [sflag:s17], $0xC80  }
0xc0: {  	s24 =	sadd.s32 $0xC80, s23;
	s20 =	sadd.s32 $0x1900, s20;
	[sflag:s17] =	ssyncset.done $0x0  }
0xc1: {  	s22 =	simm.s32 @!p1 $0x2;
	[sflag:s17] =	ssyncadd.s32 $0xFFFFF380  }
0xc2: {  	[hbm4b:s24+s2] =	stream.linear.scatter [tilespmem:s10], [sflag:$0x2], $0x6400, $0x38;
	[tilespmem:$0xE400] =	vst v63  }
0xc3: {  	_ =	swait.ge @!p1 [sflag:s22], $0x6400  }
0xc4: {  	[sflag:s22] =	ssyncset.done @!p1 $0x0  }
0xc5: {  	s21 =	sshra.s32 s21, $0x2;
	[sflag:s22] =	ssyncadd.s32 @!p1 $0xFFFF9C00  }
0xc6: {  	[tilespmem:s9], [sflag:$0x1] =	stream.indirect.gather [hbm4b:s3+s8], $0x40, s21, s8, $0xb8;
	[tilespmem:$0xE400] =	vst v63  }
0xc7: {  	s29 =	sadd.s32 $0x38, s21;
	s23 =	rddreg [dreg:$0x3]  }
0xc8: {  	[tilespmem:s23], [sflag:$0x1] =	stream.indirect.gather [hbm4b:s3+s8], $0x40, s29, s8, $0xb8;
	[tilespmem:$0xE400] =	vst v63  }
0xc9: {  	s30 =	sadd.s32 $0x70, s21;
	s25 =	rddreg [dreg:$0x4]  }
0xca: {  	[tilespmem:s25], [sflag:$0x1] =	stream.indirect.gather [hbm4b:s3+s8], $0x40, s30, s8, $0xb8;
	[tilespmem:$0xE400] =	vst v63  }
0xcb: {  	s31 =	rddreg [dreg:$0x5];
	s25 =	sadd.s32 $0xA8, s21  }
0xcc: {  	[tilespmem:s31], [sflag:$0x1] =	stream.indirect.gather [hbm4b:s3+s8], $0x40, s25, s8, $0xb8;
	[tilespmem:$0xE400] =	vst v63  }
0xcd: {  	s28 =	sadd.s32 $0xE0, s21;
	s26 =	rddreg [dreg:$0x6]  }
0xce: {  	[tilespmem:s26], [sflag:$0x1] =	stream.indirect.gather [hbm4b:s3+s8], $0x40, s28, s8, $0xb8;
	[tilespmem:$0xE400] =	vst v63  }
0xcf: {  	s29 =	rddreg [dreg:$0x7];
	s30 =	sadd.s32 $0x118, s21  }
0xd0: {  	[tilespmem:s29], [sflag:$0x1] =	stream.indirect.gather [hbm4b:s3+s8], $0x40, s30, s8, $0xb8;
	[tilespmem:$0xE400] =	vst v63  }
0xd1: {  	s31 =	rddreg [dreg:$0x8];
	s26 =	sadd.s32 $0x150, s21  }
0xd2: {  	[tilespmem:s31], [sflag:$0x1] =	stream.indirect.gather [hbm4b:s3+s8], $0x40, s26, s8, $0xb8;
	[tilespmem:$0xE400] =	vst v63  }
0xd3: {  	s28 =	rddreg [dreg:$0x9];
	s29 =	sadd.s32 $0x188, s21  }
0xd4: {  	[tilespmem:s28], [sflag:$0x1] =	stream.indirect.gather [hbm4b:s3+s8], $0x40, s29, s8, $0xb8;
	[tilespmem:$0xE400] =	vst v63  }
0xd5: {  	_ =	swait.ge @!p1 [sflag:s22], $0x6400  }
0xd6: {  	[sflag:s22] =	ssyncset.done @!p1 $0x0  }
0xd7: {  	s30 =	sadd.s32 $0x1C0, s21;
	[sflag:s22] =	ssyncadd.s32 @!p1 $0xFFFF9C00  }
0xd8: {  	[tilespmem:s10], [sflag:$0x1] =	stream.indirect.gather [hbm4b:s3+s8], $0x40, s30, s8, $0xb8;
	[tilespmem:$0xE400] =	vst v63  }
0xd9: {  	s24 =	sadd.s32 $0x1F8, s21;
	s31 =	rddreg [dreg:$0xa]  }
0xda: {  	[tilespmem:s31], [sflag:$0x1] =	stream.indirect.gather [hbm4b:s3+s8], $0x40, s24, s8, $0xb8;
	[tilespmem:$0xE400] =	vst v63  }
0xdb: {  	s25 =	sadd.s32 $0x230, s21  }
0xdc: {  	[tilespmem:s11], [sflag:$0x1] =	stream.indirect.gather [hbm4b:s3+s8], $0x40, s25, s8, $0xb8;
	[tilespmem:$0xE400] =	vst v63  }
0xdd: {  	s26 =	sadd.s32 $0x268, s21  }
0xde: {  	[tilespmem:s12], [sflag:$0x1] =	stream.indirect.gather [hbm4b:s3+s8], $0x40, s26, s8, $0xb8;
	[tilespmem:$0xE400] =	vst v63  }
0xdf: {  	s28 =	sadd.s32 $0x2A0, s21  }
0xe0: {  	[tilespmem:s13], [sflag:$0x1] =	stream.indirect.gather [hbm4b:s3+s8], $0x40, s28, s8, $0xb8;
	[tilespmem:$0xE400] =	vst v63  }
0xe1: {  	s29 =	sadd.s32 $0x2D8, s21  }
0xe2: {  	[tilespmem:s14], [sflag:$0x1] =	stream.indirect.gather [hbm4b:s3+s8], $0x40, s29, s8, $0xb8;
	[tilespmem:$0xE400] =	vst v63  }
0xe3: {  	s30 =	sadd.s32 $0x310, s21  }
0xe4: {  	[tilespmem:s15], [sflag:$0x1] =	stream.indirect.gather [hbm4b:s3+s8], $0x40, s30, s8, $0xb8;
	[tilespmem:$0xE400] =	vst v63  }
0xe5: {  	s21 =	sadd.s32 $0x348, s21  }
0xe6: {  	[tilespmem:s16], [sflag:$0x1] =	stream.indirect.gather [hbm4b:s3+s8], $0x40, s21, s8, $0xb8;
	[tilespmem:$0xE400] =	vst v63  }
0xe7: {  	_ =	swait.ge [sflag:s17], $0xC80  }
0xe8: {  	[sflag:s17] =	ssyncset.done $0x0  }
0xe9: {  	[sflag:s17] =	ssyncadd.s32 $0xFFFFF380  }
0xea: {  	_ =	swait.ge [sflag:s17], $0xC80  }
0xeb: {  	[sflag:s17] =	ssyncset.done $0x0  }
0xec: {  	[sflag:s17] =	ssyncadd.s32 $0xFFFFF380  }
0xed: {  	_ =	swait.ge [sflag:s17], $0xC80  }
0xee: {  	[sflag:s17] =	ssyncset.done $0x0  }
0xef: {  	[sflag:s17] =	ssyncadd.s32 $0xFFFFF380  }
0xf0: {  	_ =	swait.ge [sflag:s17], $0xC80  }
0xf1: {  	[sflag:s17] =	ssyncset.done $0x0  }
0xf2: {  	[sflag:s17] =	ssyncadd.s32 $0xFFFFF380  }
0xf3: {  	_ =	swait.ge [sflag:s17], $0xC80  }
0xf4: {  	[sflag:s17] =	ssyncset.done $0x0  }
0xf5: {  	[sflag:s17] =	ssyncadd.s32 $0xFFFFF380  }
0xf6: {  	_ =	swait.ge [sflag:s17], $0xC80  }
0xf7: {  	[sflag:s17] =	ssyncset.done $0x0  }
0xf8: {  	[sflag:s17] =	ssyncadd.s32 $0xFFFFF380  }
0xf9: {  	_ =	swait.ge [sflag:s17], $0xC80  }
0xfa: {  	[sflag:s17] =	ssyncset.done $0x0  }
0xfb: {  	[sflag:s17] =	ssyncadd.s32 $0xFFFFF380  }
0xfc: {  	_ =	swait.ge [sflag:s17], $0xC80  }
0xfd: {  	[sflag:s17] =	ssyncset.done $0x0  }
0xfe: {  	[sflag:s17] =	ssyncadd.s32 $0xFFFFF380  }
0xff: {  	[hbm4b:s20+s2] =	stream.linear.scatter [tilespmem:s9], [sflag:$0x2], $0x6400, $0x38;
	[tilespmem:$0xE400] =	vst v63  }
0x100: {  	_ =	swait.ge [sflag:s17], $0xC80  }
0x101: {  	[sflag:s17] =	ssyncset.done $0x0  }
0x102: {  	[sflag:s17] =	ssyncadd.s32 $0xFFFFF380  }
0x103: {  	_ =	swait.ge [sflag:s17], $0xC80  }
0x104: {  	[sflag:s17] =	ssyncset.done $0x0  }
0x105: {  	[sflag:s17] =	ssyncadd.s32 $0xFFFFF380  }
0x106: {  	_ =	swait.ge [sflag:s17], $0xC80  }
0x107: {  	[sflag:s17] =	ssyncset.done $0x0  }
0x108: {  	[sflag:s17] =	ssyncadd.s32 $0xFFFFF380  }
0x109: {  	_ =	swait.ge [sflag:s17], $0xC80  }
0x10a: {  	[sflag:s17] =	ssyncset.done $0x0  }
0x10b: {  	[sflag:s17] =	ssyncadd.s32 $0xFFFFF380  }
0x10c: {  	_ =	swait.ge [sflag:s17], $0xC80  }
0x10d: {  	[sflag:s17] =	ssyncset.done $0x0  }
0x10e: {  	[sflag:s17] =	ssyncadd.s32 $0xFFFFF380  }
0x10f: {  	_ =	swait.ge [sflag:s17], $0xC80  }
0x110: {  	[sflag:s17] =	ssyncset.done $0x0  }
0x111: {  	[sflag:s17] =	ssyncadd.s32 $0xFFFFF380  }
0x112: {  	_ =	swait.ge [sflag:s17], $0xC80  }
0x113: {  	[sflag:s17] =	ssyncset.done $0x0  }
0x114: {  	[sflag:s17] =	ssyncadd.s32 $0xFFFFF380  }
0x115: {  	_ =	swait.ge [sflag:s17], $0xC80  }
0x116: {  	[sflag:s17] =	ssyncset.done $0x0  }
0x117: {  	s19 =	sadd.s32 $0x1, s19;
	s31 =	sadd.s32 $0xC80, s20;
	[sflag:s17] =	ssyncadd.s32 $0xFFFFF380  }
0x118: {  	[hbm4b:s31+s2] =	stream.linear.scatter [tilespmem:s10], [sflag:$0x2], $0x6400, $0x38;
	[tilespmem:$0xE400] =	vst v63  }
0x119: {  	p0 =	sne.s32 s19, s5;
	_ =	swait.ge [sflag:s18], $0x6400  }
.Ltmp1:
0x11a: {  	[sflag:s18] =	ssyncset.done $0x0;
	(pc) =	sbr.rel @p0 .LBB2_1-.Ltmp1, $4  }
0x11b: {  	[sflag:s18] =	ssyncadd.s32 $0xFFFF9C00  }
0x11c: {  	_ =	swait.ge [sflag:s18], $0x6400  }
0x11d: {  	[sflag:s18] =	ssyncset.done $0x0  }
0x11e: {  	[sflag:s18] =	ssyncadd.s32 $0xFFFF9C00  }
0x11f: {  	_ =	sfence.sel $0x180000  }
0x120: {  	[bflag:$0x0] =	sbarrier.arrive $0xFFFF  }
0x121: {  	p0 =	sne.s32 s0, $0x0;
	_ =	strace $0x90000047  }
0x122: {  	s0 =	sadd.s32 @!p0 $0x100000, s1;
	[bflag:$0x2] =	sbarrier.arrive $0xFFFF  }
0x123: {  	[sflag:s0] =	ssyncadd.tile.s32 @!p0 $0x1;
	_ =	shalt  }
.Lfunc_end2:
_tile_overlayer_lowered:
.L_overlay_start_2:
0x124: {  	(tag) =	ssettag $0x2  }
0x125: {  	s0 =	rddreg [dreg:$0x0];
	s2 =	stileid.u32  }
0x126: {  	s1 =	rddreg [dreg:$0x1];
	p0 =	sne.s32 s2, $0x0  }
0x127: {  	s3 =	rddreg [dreg:$0x2];
	[bflag:$0x3] =	sbarrier.arrive $0xFFFF;
	s2 =	simm.s32 @!p0 $0x1C03  }
0x128: {  	[timem:s3], [sflag:s2] =	dma.local @!p0 [hbm:s0], s1  }
0x129: {  	s0 =	simm.s32 @!p0 $0x3  }
0x12a: {  	_ =	swait.ge @!p0 [sflag:s0], s1  }
0x12b: {  	s1 =	ssub.s32 @!p0 $0x0, s1;
	[sflag:s0] =	ssyncset.done @!p0 $0x0  }
0x12c: {  	[sflag:s0] =	ssyncadd.s32 @!p0 s1  }
0x12d: {  	[bflag:$0x3] =	sbarrier.arrive $0xFFFF  }
0x12e: {  	_ =	shalt  }

// kernel: sparse-core-data-format-call.cloned.1.call-start
scs
called_computation_lowered:
.L_overlay_start_0:
0x0: {  	s2 =	sld [smem:$0x3FD9]  }
0x1: {  	s3 =	sld [smem:$0x3FFE];
	_ =	sdelay $0x1  }
0x2: {  	s1 =	srdreg.scid  }
0x3: {  	s0 =	sand.u32 $0x1, s1  }
0x4: {  	s18 =	sshll.u32 s0, $0xA;
	s2 =	sadd.s32 s3, s2  }
0x5: {  	s2 =	sadd.s32 s2, s18  }
0x6: {  	[smem:$0x3FC6] =	sst s2  }
0x7: {  	_ = 	snop  }
0x8: {  	s2 =	sld [smem:$0x3FD0];
	(tm) =	ssettm $0x1  }
0x9: {  	s19 =	sld [smem:$0x3FFB];
	_ =	sdelay $0x3  }
0xa: {  	_ =	strace s19  }
0xb: {  	s3 =	sld [smem:$0x3FFC];
	_ =	sdelay $0x3  }
0xc: {  	_ =	strace s3  }
0xd: {  	s3 =	sld [smem:$0x3FFD];
	_ =	sdelay $0x3  }
0xe: {  	_ =	strace s3  }
0xf: {  	_ =	strace $0x8FFFFFFF  }
0x10: {  	s20 =	sld [smem:$0x3FDB];
	_ =	sdelay $0x1  }
0x11: {  	s4 =	simm.s32 $_scs_section_size  }
0x12: {  	s5 =	simm.s32 $_size__tile_overlayer_lowered;
	s6 =	simm.s32 $_tile_overlayer_lowered  }
0x13: {  	s23 =	simm.s32 $0x1BFF;
	s22 =	sshll.u32 s6, $0x1;
	s3 =	sadd.s32 s4, s20  }
0x14: {  	s7 =	simm.s32 $0x0;
	s21 =	sshll.u32 s5, $0x1;
	s5 =	sadd.s32 s22, s3  }
0x15: {  	[timem:s7], [sflag:s23] =	dma.local [hbm:s5], s21  }
0x16: {  	_ =	swait.ge [sflag:s23], s21  }
0x17: {  	s4 =	ssub.s32 $0x0, s21;
	[sflag:s23] =	ssyncset.done $0x0  }
0x18: {  	[sflag:s23] =	ssyncadd.s32 s4;
	_ =	sdelay $0x1  }
0x19: {  	s24 =	simm.s32 $0x1B8B  }
0x1a: {  	_ =	swait.ge [sflag:s24], $0x1  }
0x1b: {  	[sflag:s24] =	ssyncset.done $0x0  }
0x1c: {  	s26 =	simm.s32 $0x1B8E;
	s25 =	sld [smem:$0x3FFE];
	[sflag:s24] =	ssyncadd.s32 $0xFFFFFFFF  }
0x1d: {  	s27 =	simm.s32 $execute0_lowered;
	[smem:$0x3FD2] =	sst s26  }
0x1e: {  	s5 =	sshll.u32 s27, $0x1;
	_ =	strace $0x80000049;
	[dreg:$0x1] =	wrdreg $0xFFFFFFFF  }
0x1f: {  	s28 =	simm.s32 $_size_execute0_lowered;
	s3 =	sadd.s32 s3, s5;
	[dreg:$0x0] =	wrdreg $0x0  }
0x20: {  	s5 =	sshll.u32 s28, $0x1;
	[dreg:$0x2] =	wrdreg s3  }
0x21: {  	[dreg:$0x3] =	wrdreg s5  }
0x22: {  	[dreg:$0x4] =	wrdreg $0xC0  }
0x23: {  	_ =	task [dreg:s7], $0x5FFFF  }
0x24: {  	[dreg:$0x1] =	wrdreg $0xFFFFFFFF  }
0x25: {  	[dreg:$0x0] =	wrdreg $0x60  }
0x26: {  	[dreg:$0x2] =	wrdreg s25  }
0x27: {  	[dreg:$0x3] =	wrdreg s2  }
0x28: {  	[dreg:$0x4] =	wrdreg $0x9  }
0x29: {  	_ =	task.clear_ibuf [dreg:s7], $0x5FFFF;
	_ =	strace $0x90000049  }
0x2a: {  	s29 =	simm.s32 $0x9;
	_ =	strace $0x8000004B  }
0x2b: {  	_ =	swait.ge [sflag:s29], $0x1  }
0x2c: {  	[sflag:s29] =	ssyncadd.s32 $0xFFFFFFFF  }
0x2d: {  	_ =	strace $0x9000004B  }
0x2e: {  	_ =	sfence  }
0x2f: {  	s30 =	sld [smem:$0x0];
	_ =	sdelay $0x2  }
0x30: {  	s31 =	sshll.u32 s1, $0xD;
	s1 =	sshrl.u32 s1, $0x2  }
0x31: {  	s3 =	sand.u32 $0x4000, s31;
	s1 =	sadd.s32 s1, s30  }
0x32: {  	s0 =	sor.u32 s3, s0;
	s1 =	sshll.u32 s1, $0x11  }
0x33: {  	s0 =	sor.u32 s1, s0  }
0x34: {  	s0 =	sadd.s32 $0x8F2B, s0  }
0x35: {  	[sflag:s0] =	ssyncadd.remote.s32 $0x1  }
0x36: {  	_ =	sfence.sel $0xFFFF  }
0x37: {  	[dreg:$0x0] =	wrdreg $0xFFFFFFFF;
	(pc) =	sbr.abs _section_cstart, $3  }
0x38: {  	[dreg:$0x1] =	wrdreg $0xFFFFFFFF  }
0x39: {  	_ =	task.clear_ibuf [dreg:s7], $0x2FFFF;
	_ =	strace $0x9FFFFFFF  }
0x3a: {  	(tm) =	ssettm $0x7FFFFFFF  }
0x3b: {  	_ =	shalt  }
tec
execute0_lowered:
.L_overlay_start_1:
0x0: {  	(tag) =	ssettag $0x1  }
0x1: {  	s0 =	srdreg.scid  }
0x2: {  	s1 =	sshll.u32 s0, $0x4  }
0x3: {  	s0 =	stileid.u32;
	s1 =	sand.u32 $0x10, s1  }
0x4: {  	s1 =	sor.u32 s0, s1  }
0x5: {  	s6 =	rddreg [dreg:$0x0];
	s4 =	simm.s32 $0x1;
	s2 =	sshll.u32 s1, $0x7  }
0x6: {  	s7 =	simm.s32 $0x2;
	s12 =	simm.s32 $0x0;
	s1 =	ssub.s32 $0x1000, s2  }
0x7: {  	s8 =	simm.s32 $0x8000;
	s13 =	simm.s32 $0x0;
	s3 =	sand.u32 $0xF80, s1  }
0x8: {  	s9 =	simm.s32 $0x0;
	s5 =	sshrl.u32 s1, $0xC;
	p0 =	sne.s32 s3, $0x0  }
.Ltmp0:
0x9: {  	s1 =	rddreg [dreg:$0x2];
	s4 =	simm.s32 @!p0 $0x0;
	(pc) =	sbr.rel .LBB1_1-.Ltmp0, $4  }
0xa: {  	s11 =	simm.s32 $0x0;
	s3 =	rddreg [dreg:$0x1];
	s5 =	sadd.s32 s4, s5  }
0xb: {  	_ =	strace $0x8000004A;
	s4 =	simm.s32 $0x1;
	s5 =	smul.u32 $0x32, s5  }
0xc: {  	s6 =	sadd.s32 $0x800, s6;
	s10 =	smov.u32 s2;
	[sflag:s4] =	ssyncpa.u1 $0x0  }
0xd: {  	p0 =	por $0x0, $0x0;
	[sflag:s7] =	ssyncpa.u1 $0x0;
	s7 =	sor.u32 $0x1, s5  }
.LBB1_4:
0xe: {  	s16 =	sshll.u32 s13, $0x3;
	s17 =	sand.u32 $0x78, s13  }
0xf: {  	s30 =	sand.u32 $0x7E00, s13;
	s12 =	sshll.u32 s12, $0xF;
	s16 =	sand.u32 $0xC00, s16  }
0x10: {  	[tilespmem:s15+$0x810 ss:$0x81] =	vst.msk $0xffff, v2;
	s31 =	sand.u32 $0x7, s13;
	s16 =	sor.u32 s17, s16;
	s17 =	sadd.s32 s3, s30  }
0x11: {  	[tilespmem:s15+$0x1020 ss:$0x81] =	vst.msk $0xffff, v0;
	s13 =	sshll.u32 s31, $0x12;
	s12 =	sadd.s32 s12, s17;
	s16 =	sshrl.u32 s16, $0x3  }
0x12: {  	[tilespmem:s15+$0x0 ss:$0x81] =	vst.msk $0xffff, v1;
	s13 =	sor.u32 $0x400, s13;
	s12 =	sadd.s32 s16, s12  }
0x13: {  	[hbm4b:s12+s13] =	stream.strided.scatter [tilespmem:s14], [sflag:$0x2], $0x2000, s8, s13, $0x20;
	[tilespmem:$0x8080] =	vst v63  }
.LBB1_5:
0x14: {  	s14 =	sadd.s32 $0x1, s9  }
0x15: {  	s12 =	sadd.s32 $0x1000, s10;
	s16 =	smov.u32 s10;
	p2 =	sgt.s32 s14, $0x31  }
0x16: {  	s16 =	smov.u32 @p2 s12  }
0x17: {  	s14 =	simm.s32 @p2 $0x0;
	p2 =	sgt.s32 s16, $0xFFF  }
0x18: {  	s16 =	smov.u32 @p2 s2;
	p2 =	sne.s32 s11, s7  }
.Ltmp1:
0x19: {  	p1 =	slt.u32 s11, $0x2;
	(pc) =	sbr.rel @!p2 .LBB1_6-.Ltmp1, $4  }
0x1a: {  	s15 =	simm.s32 @!p1 $0x2  }
0x1b: {  	s13 =	smov.u32 s10;
	p0 =	por !p0, !p0;
	_ =	swait.ge @!p1 [sflag:s15], $0x2000  }
0x1c: {  	s12 =	smov.u32 s9;
	[sflag:s15] =	ssyncset.done @!p1 $0x0;
	s9 =	smov.u32 s14  }
0x1d: {  	s11 =	sadd.s32 $0x1, s11;
	[sflag:s15] =	ssyncadd.s32 @!p1 $0xFFFFE000;
	s10 =	smov.u32 s16  }
.LBB1_1:
0x1e: {  	p1 =	sge.u32 s11, s5  }
0x1f: {  	s14 =	sand.u32 @!p1 $0x1FFFFFF, s9  }
0x20: {  	s15 =	smulhi.u32 @!p1 $0x4924925, s14;
	_ =	sdelay $0x1  }
0x21: {  	s15 =	smul.u32 @!p1 $0x38, s15  }
0x22: {  	s16 =	sxor.u32 @!p1 $0xFFFFFFFF, s11;
	s17 =	smul.u32 @!p1 $0x380, s10  }
0x23: {  	s31 =	sadd.s32 $0xFFFFFFFF, s11;
	s16 =	sshll.u32 @!p1 s16, $0xD;
	s14 =	ssub.s32 @!p1 s14, s15  }
0x24: {  	s15 =	sand.u32 @!p1 $0x2000, s16;
	s16 =	sadd.s32 @!p1 s6, s17;
	s14 =	sshll.u32 @!p1 s14, $0x4  }
0x25: {  	s17 =	simm.s32 @!p1 $0x1C00;
	s14 =	sadd.s32 @!p1 s14, s16;
	s16 =	simm.s32 @!p1 $0x40  }
0x26: {  	[tilespmem:s15], [sflag:$0x1] =	stream.strided.gather @!p1 [hbm4b:s14+s16], $0x2000, s17, s16, $0x38;
	[tilespmem:$0x8080] =	vst v63  }
0x27: {  	p1 =	sge.u32 s31, s5  }
.Ltmp2:
0x28: {  	_ = 	snop;
	(pc) =	sbr.rel @p1 .LBB1_5-.Ltmp2, $1  }
0x29: {  	_ =	sdelay $0x3  }
0x2a: {  	s14 =	simm.s32 $0x1  }
0x2b: {  	_ =	swait.ge [sflag:s4], $0x2000;
	s14 =	simm.s32 @!p0 $0x0  }
0x2c: {  	[sflag:s4] =	ssyncset.done $0x0;
	s15 =	sshll.u32 s14, $0xD  }
0x2d: {  	[sflag:s4] =	ssyncadd.s32 $0xFFFFE000;
	s18 =	sor.u32 $0x20, s15  }
0x2e: {  	s14 =	smul.u32 $0x8100, s14;
	v3 =	vld [tilespmem:s18+$0x10]  }
0x2f: {  	s30 =	sand.u32 $0x1, s11;
	v2 =	vld [tilespmem:s18+$0xFFFFFFF0]  }
0x30: {  	s15 =	smul.u32 $0x8100, s30;
	s14 =	sshrl.u32 s14, $0x2;
	v0 =	vld [tilespmem:s18+$0x0]  }
0x31: {  	v1 =	vld [tilespmem:s18+$0xFFFFFFE0];
	s16 =	sor.u32 $0x4000, s14  }
0x32: {  	s31 =	sshrl.u32 s15, $0x2;
	s15 =	sadd.s32 $0x0, s16  }
0x33: {  	s17 =	simm.s32 $0x4;
	s18 =	sadd.s32 $0x40, s18;
	s14 =	sor.u32 $0x4000, s31;
	[tilespmem:s15+$0x1830 ss:$0x81] =	vst.msk $0xffff, v3  }
.LBB1_3:
0x34: {  	v3 =	vld [tilespmem:s18+$0x10];
	p1 =	sne.s32 s17, $0x1FC;
	[tilespmem:s15+$0x810 ss:$0x81] =	vst.msk $0xffff, v2;
	s19 =	smov.u32 s17;
	s17 =	sadd.s32 $0x4, s17  }
.Ltmp3:
0x35: {  	v2 =	vld [tilespmem:s18+$0xFFFFFFF0];
	[tilespmem:s15+$0x1020 ss:$0x81] =	vst.msk $0xffff, v0;
	(pc) =	sbr.rel @p1 .LBB1_3-.Ltmp3, $4  }
0x36: {  	v0 =	vld [tilespmem:s18+$0x0];
	[tilespmem:s15+$0x0 ss:$0x81] =	vst.msk $0xffff, v1  }
0x37: {  	s15 =	sshra.s32 s19, $0x2;
	v1 =	vld [tilespmem:s18+$0xFFFFFFE0]  }
0x38: {  	s15 =	sadd.s32 s15, s16  }
0x39: {  	s18 =	sadd.s32 $0x40, s18;
	[tilespmem:s15+$0x1830 ss:$0x81] =	vst.msk $0xffff, v3  }
.Ltmp4:
0x3a: {  	_ = 	snop;
	(pc) =	sbr.rel .LBB1_4-.Ltmp4, $1  }
0x3b: {  	_ =	sdelay $0x3  }
.LBB1_6:
0x3c: {  	_ =	sfence.sel $0x180000  }
0x3d: {  	s2 =	simm.s32 $0x1;
	[bflag:$0x0] =	sbarrier.arrive $0xFFFF  }
0x3e: {  	s31 =	simm.s32 $0x2;
	[sflag:s2] =	ssyncpa.u1 $0x1  }
0x3f: {  	[sflag:s31] =	ssyncpa.u1 $0x1  }
0x40: {  	p0 =	sne.s32 s0, $0x0;
	_ =	strace $0x9000004A  }
0x41: {  	s0 =	sadd.s32 @!p0 $0x100000, s1;
	[bflag:$0x2] =	sbarrier.arrive $0xFFFF  }
0x42: {  	[sflag:s0] =	ssyncadd.tile.s32 @!p0 $0x1;
	_ =	shalt  }
.Lfunc_end1:
_tile_overlayer_lowered:
.L_overlay_start_2:
0x43: {  	(tag) =	ssettag $0x2  }
0x44: {  	s0 =	rddreg [dreg:$0x0];
	s2 =	stileid.u32  }
0x45: {  	s1 =	rddreg [dreg:$0x1];
	p0 =	sne.s32 s2, $0x0  }
0x46: {  	s3 =	rddreg [dreg:$0x2];
	[bflag:$0x3] =	sbarrier.arrive $0xFFFF;
	s2 =	simm.s32 @!p0 $0x1C01  }
0x47: {  	[timem:s3], [sflag:s2] =	dma.local @!p0 [hbm:s0], s1  }
0x48: {  	s0 =	simm.s32 @!p0 $0x1  }
0x49: {  	_ =	swait.ge @!p0 [sflag:s0], s1  }
0x4a: {  	s1 =	ssub.s32 @!p0 $0x0, s1;
	[sflag:s0] =	ssyncset.done @!p0 $0x0  }
0x4b: {  	[sflag:s0] =	ssyncadd.s32 @!p0 s1  }
0x4c: {  	[bflag:$0x3] =	sbarrier.arrive $0xFFFF  }
0x4d: {  	_ =	shalt  }

</sc_bundles>
